<compile_context>
chip_gen: v7x
topology: tpu7x:2x2x1
jax: 0.10.2.dev20260603
libtpu: 0.0.44.dev20260713+nightly
codegen_flags: <defaults>
</compile_context>

<pallas_src>
import jax
import jax.numpy as jnp
from jax import lax
from jax.experimental import pallas as pl
from jax.experimental.pallas import tpu as pltpu
from jax.experimental.pallas import tpu_sc as plsc

N = 10000
D = 128
E = 320000

NC = 2
NS = 16
NW = NC * NS
EDGES_PER_TILE = E // NW
CHUNK = 80
NCHUNKS = EDGES_PER_TILE // CHUNK
NPAD = NS * 640
ROWS_PER_TILE = NPAD // NS

_MESH = plsc.VectorSubcoreMesh(core_axis_name="c", subcore_axis_name="s")


def _sc_pass(table, srcf, dstf, zeros_nd, zeros_n, ones_c, with_deg):
  out_type = [jax.ShapeDtypeStruct((NC, NPAD, D), jnp.float32)]
  scratch = [
      pltpu.VMEM_SHARED((NPAD, D), jnp.float32),
      [pltpu.VMEM((CHUNK,), jnp.int32) for _ in range(4)],
      [pltpu.VMEM((CHUNK,), jnp.int32) for _ in range(4)],
      [pltpu.SemaphoreType.DMA for _ in range(4)],
      [pltpu.VMEM((CHUNK, D), jnp.float32) for _ in range(4)],
      [pltpu.SemaphoreType.DMA for _ in range(4)],
  ]
  if with_deg:
    out_type.append(jax.ShapeDtypeStruct((NC, NPAD), jnp.float32))
    scratch.append(pltpu.VMEM_SHARED((NPAD,), jnp.float32))
    scratch.append(pltpu.VMEM((CHUNK,), jnp.float32))

  def body(table_hbm, src_hbm, dst_hbm, znd_hbm, zn_hbm, ones_hbm,
           *outs_and_scratch):
    if with_deg:
      (out_h, out_deg, acc, ivs, dvs, isems, rowbufs, gsems,
       deg, ones_v) = outs_and_scratch
    else:
      out_h, acc, ivs, dvs, isems, rowbufs, gsems = outs_and_scratch
    c = lax.axis_index("c")
    s = lax.axis_index("s")
    wid = c * NS + s
    rows = pl.ds(s * ROWS_PER_TILE, ROWS_PER_TILE)

    pltpu.sync_copy(znd_hbm.at[rows], acc.at[rows])
    if with_deg:
      pltpu.sync_copy(zn_hbm.at[rows], deg.at[rows])
      pltpu.sync_copy(ones_hbm, ones_v)
    plsc.subcore_barrier()

    base = wid * EDGES_PER_TILE

    def iload(k, b):
      off = base + k * CHUNK
      pltpu.async_copy(src_hbm.at[pl.ds(off, CHUNK)], ivs[b], isems[b])
      pltpu.async_copy(dst_hbm.at[pl.ds(off, CHUNK)], dvs[b], isems[b])

    def iwait(b):
      pltpu.make_async_copy(src_hbm.at[pl.ds(0, CHUNK)], ivs[b],
                            isems[b]).wait()
      pltpu.make_async_copy(dst_hbm.at[pl.ds(0, CHUNK)], dvs[b],
                            isems[b]).wait()

    def gstart(b, r):
      pltpu.async_copy(table_hbm.at[ivs[b]], rowbufs[r], gsems[r])

    def gwait(b, r):
      pltpu.make_async_copy(table_hbm.at[ivs[b]], rowbufs[r],
                            gsems[r]).wait()

    def scatter(b, r):
      pltpu.sync_copy(rowbufs[r], acc.at[dvs[b]], add=True)
      if with_deg:
        pltpu.sync_copy(ones_v, deg.at[dvs[b]], add=True)

    iload(0, 0)
    iload(1, 1)
    iload(2, 2)
    iwait(0)
    gstart(0, 0)
    iwait(1)
    gstart(1, 1)

    def step(kk, carry):
      c0 = 4 * kk
      for j in range(4):
        c = c0 + j
        gwait(j, j)

        @pl.when(c + 2 <= NCHUNKS - 1)
        def _():
          iwait((j + 2) % 4)
          gstart((j + 2) % 4, (j + 2) % 4)

        @pl.when(c + 3 <= NCHUNKS - 1)
        def _():
          iload(c + 3, (j + 3) % 4)

        scatter(j, j)
      return carry

    lax.fori_loop(0, (NCHUNKS - 1) // 4, step, 0)

    gwait(0, 0)
    scatter(0, 0)
    plsc.subcore_barrier()

    pltpu.sync_copy(acc.at[rows], out_h.at[c, rows])
    if with_deg:
      pltpu.sync_copy(deg.at[rows], out_deg.at[c, rows])

  fn = pl.kernel(body, out_type=out_type, mesh=_MESH, scratch_types=scratch)
  return fn(table, srcf, dstf, zeros_nd, zeros_n, ones_c)


def _combine_body(pa_ref, pd_ref, out_ref):
  total = pa_ref[0] + pa_ref[1]
  deg = pd_ref[0] + pd_ref[1]
  inv = 1.0 / jnp.maximum(deg, 1.0)
  out_ref[...] = total * inv


_ROWB = 1000


def _combine(pa, pd3):
  grid = (N // _ROWB,)
  return pl.pallas_call(
      _combine_body,
      grid=grid,
      in_specs=[
          pl.BlockSpec((NC, _ROWB, D), lambda i: (0, i, 0)),
          pl.BlockSpec((NC, _ROWB, 1), lambda i: (0, i, 0)),
      ],
      out_specs=pl.BlockSpec((_ROWB, D), lambda i: (i, 0)),
      out_shape=jax.ShapeDtypeStruct((N, D), jnp.float32),
  )(pa, pd3)


def kernel(x, edge_index):
  ei = edge_index.astype(jnp.int32)
  srcf = ei[0]
  dstf = ei[1]
  zeros_nd = jnp.zeros((NPAD, D), jnp.float32)
  zeros_n = jnp.zeros((NPAD,), jnp.float32)
  ones_c = jnp.ones((CHUNK,), jnp.float32)

  ph, pdeg = _sc_pass(x, srcf, dstf, zeros_nd, zeros_n, ones_c, with_deg=True)
  pd3 = pdeg[:, :, None]
  h = _combine(ph, pd3)
  (ph2,) = _sc_pass(h, srcf, dstf, zeros_nd, zeros_n, ones_c, with_deg=False)
  return _combine(ph2, pd3)

# --- scband reference (transcript-rebuilt; emitter-appended) ---
"""Pipeline reference for scband-model-33457795236517 (READ-ONLY COPY).

The authoritative reference and input builder live on the scoring server;
editing this copy changes nothing except your own understanding.
"""

import jax, jax.numpy as jnp
import numpy as np

N_NODES = 10000
N_EDGES = 320000
D_FEAT = 128


def setup_inputs(seed: int = 0) -> dict:
    key = jax.random.key(seed)
    k1, k2 = jax.random.split(key)
    x = jax.random.normal(k1, (N_NODES, D_FEAT), dtype=jnp.float32)
    edge_index = jax.random.randint(k2, (2, N_EDGES), 0, N_NODES, dtype=jnp.int64)
    return {"x": x, "edge_index": edge_index}


def reference(x, edge_index):
    # Faithful translation of the DGL NodeFlow two-block mean aggregation:
    #   block 0: h  = mean over in-neighbors of 'features'
    #   block 1: h2 = mean over in-neighbors of 'h'
    src = edge_index[0]
    dst = edge_index[1]
    ones = jnp.ones((src.shape[0],), dtype=x.dtype)
    deg = jax.ops.segment_sum(ones, dst, num_segments=N_NODES)
    deg = jnp.clip(deg, 1.0, None)[:, None]
    # block 0: copy_src('features') -> mailbox mean
    msg0 = jnp.take(x, src, axis=0)
    h = jax.ops.segment_sum(msg0, dst, num_segments=N_NODES) / deg
    # block 1: copy_src('h') -> mailbox mean
    msg1 = jnp.take(h, src, axis=0)
    h2 = jax.ops.segment_sum(msg1, dst, num_segments=N_NODES) / deg
    return h2

if __name__ == "__main__":
    import jax
    _d = setup_inputs()
    print(jax.jit(kernel)(*tuple(_d.values())))

</pallas_src>

<mosaic_0001>
#map = affine_map<(d0, d1) -> (0, 0)>
#map1 = affine_map<(d0, d1) -> (0)>
#map2 = affine_map<(d0, d1) -> (0, 0, 0)>
module attributes {stable_mosaic.version = 14 : i64} {
  func.func @body(%arg0: i32, %arg1: i32, %arg2: memref<10000x128xf32, #tpu.memory_space<hbm>>, %arg3: memref<320000xi32, #tpu.memory_space<hbm>>, %arg4: memref<320000xi32, #tpu.memory_space<hbm>>, %arg5: memref<10240x128xf32, #tpu.memory_space<hbm>>, %arg6: memref<10240xf32, #tpu.memory_space<hbm>>, %arg7: memref<80xf32, #tpu.memory_space<hbm>>, %arg8: memref<2x10240x128xf32, #tpu.memory_space<hbm>>, %arg9: memref<10240x128xf32, #tpu.memory_space<vmem_shared>>, %arg10: memref<80xi32, #tpu.memory_space<vmem>>, %arg11: memref<80xi32, #tpu.memory_space<vmem>>, %arg12: memref<80xi32, #tpu.memory_space<vmem>>, %arg13: memref<80xi32, #tpu.memory_space<vmem>>, %arg14: memref<80xi32, #tpu.memory_space<vmem>>, %arg15: memref<80xi32, #tpu.memory_space<vmem>>, %arg16: memref<80xi32, #tpu.memory_space<vmem>>, %arg17: memref<80xi32, #tpu.memory_space<vmem>>, %arg18: memref<!tpu.dma_semaphore, #tpu.memory_space<semaphore_mem>>, %arg19: memref<!tpu.dma_semaphore, #tpu.memory_space<semaphore_mem>>, %arg20: memref<!tpu.dma_semaphore, #tpu.memory_space<semaphore_mem>>, %arg21: memref<!tpu.dma_semaphore, #tpu.memory_space<semaphore_mem>>, %arg22: memref<80x128xf32, #tpu.memory_space<vmem>>, %arg23: memref<80x128xf32, #tpu.memory_space<vmem>>, %arg24: memref<80x128xf32, #tpu.memory_space<vmem>>, %arg25: memref<80x128xf32, #tpu.memory_space<vmem>>, %arg26: memref<!tpu.dma_semaphore, #tpu.memory_space<semaphore_mem>>, %arg27: memref<!tpu.dma_semaphore, #tpu.memory_space<semaphore_mem>>, %arg28: memref<!tpu.dma_semaphore, #tpu.memory_space<semaphore_mem>>, %arg29: memref<!tpu.dma_semaphore, #tpu.memory_space<semaphore_mem>>) attributes {dimension_semantics = [#tpu.dimension_semantics<core_parallel>, #tpu.dimension_semantics<subcore_parallel>], iteration_bounds = array<i64: 2, 16>, scalar_prefetch = 0 : i64, scratch_operands = 21 : i64, tpu.core_type = #tpu.core_type<sc_vector_subcore>, window_params = [{transform_indices = #map}, {transform_indices = #map1}, {transform_indices = #map1}, {transform_indices = #map}, {transform_indices = #map1}, {transform_indices = #map1}, {transform_indices = #map2}]} {
    %mul3A = arith.constant 16 : i32
    %mul3A_0 = arith.muli %arg0, %mul3A : i32
    %add3A = arith.addi %mul3A_0, %arg1 : i32
    %mul3A_1 = arith.constant 640 : i32
    %mul3A_2 = arith.muli %arg1, %mul3A_1 : i32
    "tpu.region"() ({
      %run_scoped3A = tpu.sem_alloc : memref<!tpu.dma_semaphore, #tpu.memory_space<semaphore_mem>>
      %dma_start3A_52 = arith.constant 0 : i32
      %dma_start3A_53 = tpu.memref_slice %arg9[%mul3A_2, %dma_start3A_52] : memref<10240x128xf32, #tpu.memory_space<vmem_shared>> -> memref<640x128xf32, #tpu.memory_space<vmem_shared>>
      %dma_start3A_54 = arith.constant 0 : i32
      %dma_start3A_55 = tpu.memref_slice %arg5[%mul3A_2, %dma_start3A_54] : memref<10240x128xf32, #tpu.memory_space<hbm>> -> memref<640x128xf32, #tpu.memory_space<hbm>>
      tpu.enqueue_dma source(%dma_start3A_55 : memref<640x128xf32, #tpu.memory_space<hbm>>) target(%dma_start3A_53 : memref<640x128xf32, #tpu.memory_space<vmem_shared>>) target_semaphore(%run_scoped3A : memref<!tpu.dma_semaphore, #tpu.memory_space<semaphore_mem>>)
      %dma_wait3A_56 = arith.constant 0 : i32
      %dma_wait3A_57 = tpu.memref_slice %arg9[%mul3A_2, %dma_wait3A_56] : memref<10240x128xf32, #tpu.memory_space<vmem_shared>> -> memref<640x128xf32, #tpu.memory_space<vmem_shared>>
      %dma_wait3A_58 = arith.constant 0 : i32
      %dma_wait3A_59 = tpu.memref_slice %arg5[%mul3A_2, %dma_wait3A_58] : memref<10240x128xf32, #tpu.memory_space<hbm>> -> memref<640x128xf32, #tpu.memory_space<hbm>>
      tpu.wait_dma2 semaphore(%run_scoped3A : memref<!tpu.dma_semaphore, #tpu.memory_space<semaphore_mem>>) src(%dma_wait3A_59 : memref<640x128xf32, #tpu.memory_space<hbm>>) dst(%dma_wait3A_57 : memref<640x128xf32, #tpu.memory_space<vmem_shared>>)
      tpu.yield
    }) : () -> ()
    %barrier3A = arith.constant 0 : index
    tpu.barrier barrier_id(%barrier3A)
    %mul3A_3 = arith.constant 10000 : i32
    %mul3A_4 = arith.muli %add3A, %mul3A_3 : i32
    %add3A_5 = arith.constant 0 : i32
    %add3A_6 = arith.addi %mul3A_4, %add3A_5 : i32
    %dma_start3A = tpu.memref_slice %arg3[%add3A_6] : memref<320000xi32, #tpu.memory_space<hbm>> -> memref<80xi32, #tpu.memory_space<hbm>>
    %dma_start3A_7 = tpu.memref_slice %arg3[%add3A_6] : memref<320000xi32, #tpu.memory_space<hbm>> -> memref<80xi32, #tpu.memory_space<hbm>>
    tpu.enqueue_dma source(%dma_start3A_7 : memref<80xi32, #tpu.memory_space<hbm>>) target(%arg10 : memref<80xi32, #tpu.memory_space<vmem>>) target_semaphore(%arg18 : memref<!tpu.dma_semaphore, #tpu.memory_space<semaphore_mem>>)
    %dma_start3A_8 = tpu.memref_slice %arg4[%add3A_6] : memref<320000xi32, #tpu.memory_space<hbm>> -> memref<80xi32, #tpu.memory_space<hbm>>
    %dma_start3A_9 = tpu.memref_slice %arg4[%add3A_6] : memref<320000xi32, #tpu.memory_space<hbm>> -> memref<80xi32, #tpu.memory_space<hbm>>
    tpu.enqueue_dma source(%dma_start3A_9 : memref<80xi32, #tpu.memory_space<hbm>>) target(%arg14 : memref<80xi32, #tpu.memory_space<vmem>>) target_semaphore(%arg18 : memref<!tpu.dma_semaphore, #tpu.memory_space<semaphore_mem>>)
    %add3A_10 = arith.constant 80 : i32
    %add3A_11 = arith.addi %mul3A_4, %add3A_10 : i32
    %dma_start3A_12 = tpu.memref_slice %arg3[%add3A_11] : memref<320000xi32, #tpu.memory_space<hbm>> -> memref<80xi32, #tpu.memory_space<hbm>>
    %dma_start3A_13 = tpu.memref_slice %arg3[%add3A_11] : memref<320000xi32, #tpu.memory_space<hbm>> -> memref<80xi32, #tpu.memory_space<hbm>>
    tpu.enqueue_dma source(%dma_start3A_13 : memref<80xi32, #tpu.memory_space<hbm>>) target(%arg11 : memref<80xi32, #tpu.memory_space<vmem>>) target_semaphore(%arg19 : memref<!tpu.dma_semaphore, #tpu.memory_space<semaphore_mem>>)
    %dma_start3A_14 = tpu.memref_slice %arg4[%add3A_11] : memref<320000xi32, #tpu.memory_space<hbm>> -> memref<80xi32, #tpu.memory_space<hbm>>
    %dma_start3A_15 = tpu.memref_slice %arg4[%add3A_11] : memref<320000xi32, #tpu.memory_space<hbm>> -> memref<80xi32, #tpu.memory_space<hbm>>
    tpu.enqueue_dma source(%dma_start3A_15 : memref<80xi32, #tpu.memory_space<hbm>>) target(%arg15 : memref<80xi32, #tpu.memory_space<vmem>>) target_semaphore(%arg19 : memref<!tpu.dma_semaphore, #tpu.memory_space<semaphore_mem>>)
    %add3A_16 = arith.constant 160 : i32
    %add3A_17 = arith.addi %mul3A_4, %add3A_16 : i32
    %dma_start3A_18 = tpu.memref_slice %arg3[%add3A_17] : memref<320000xi32, #tpu.memory_space<hbm>> -> memref<80xi32, #tpu.memory_space<hbm>>
    %dma_start3A_19 = tpu.memref_slice %arg3[%add3A_17] : memref<320000xi32, #tpu.memory_space<hbm>> -> memref<80xi32, #tpu.memory_space<hbm>>
    tpu.enqueue_dma source(%dma_start3A_19 : memref<80xi32, #tpu.memory_space<hbm>>) target(%arg12 : memref<80xi32, #tpu.memory_space<vmem>>) target_semaphore(%arg20 : memref<!tpu.dma_semaphore, #tpu.memory_space<semaphore_mem>>)
    %dma_start3A_20 = tpu.memref_slice %arg4[%add3A_17] : memref<320000xi32, #tpu.memory_space<hbm>> -> memref<80xi32, #tpu.memory_space<hbm>>
    %dma_start3A_21 = tpu.memref_slice %arg4[%add3A_17] : memref<320000xi32, #tpu.memory_space<hbm>> -> memref<80xi32, #tpu.memory_space<hbm>>
    tpu.enqueue_dma source(%dma_start3A_21 : memref<80xi32, #tpu.memory_space<hbm>>) target(%arg16 : memref<80xi32, #tpu.memory_space<vmem>>) target_semaphore(%arg20 : memref<!tpu.dma_semaphore, #tpu.memory_space<semaphore_mem>>)
    %dma_wait3A = arith.constant 0 : i32
    %dma_wait3A_22 = tpu.memref_slice %arg3[%dma_wait3A] : memref<320000xi32, #tpu.memory_space<hbm>> -> memref<80xi32, #tpu.memory_space<hbm>>
    %dma_wait3A_23 = arith.constant 0 : i32
    %dma_wait3A_24 = tpu.memref_slice %arg3[%dma_wait3A_23] : memref<320000xi32, #tpu.memory_space<hbm>> -> memref<80xi32, #tpu.memory_space<hbm>>
    tpu.wait_dma2 semaphore(%arg18 : memref<!tpu.dma_semaphore, #tpu.memory_space<semaphore_mem>>) src(%dma_wait3A_24 : memref<80xi32, #tpu.memory_space<hbm>>) dst(%arg10 : memref<80xi32, #tpu.memory_space<vmem>>)
    %dma_wait3A_25 = arith.constant 0 : i32
    %dma_wait3A_26 = tpu.memref_slice %arg4[%dma_wait3A_25] : memref<320000xi32, #tpu.memory_space<hbm>> -> memref<80xi32, #tpu.memory_space<hbm>>
    %dma_wait3A_27 = arith.constant 0 : i32
    %dma_wait3A_28 = tpu.memref_slice %arg4[%dma_wait3A_27] : memref<320000xi32, #tpu.memory_space<hbm>> -> memref<80xi32, #tpu.memory_space<hbm>>
    tpu.wait_dma2 semaphore(%arg18 : memref<!tpu.dma_semaphore, #tpu.memory_space<semaphore_mem>>) src(%dma_wait3A_28 : memref<80xi32, #tpu.memory_space<hbm>>) dst(%arg14 : memref<80xi32, #tpu.memory_space<vmem>>)
    %dma_start3A_29 = arith.constant 0 : i32
    %dma_start3A_30 = arith.constant 0 : i32
    %dma_start3A_31 = tpu.memref_slice %arg2[%dma_start3A_29, %dma_start3A_30] : memref<10000x128xf32, #tpu.memory_space<hbm>> -> memref<10000x128xf32, #tpu.memory_space<hbm>>
    tpu.enqueue_indirect_dma source(%dma_start3A_31 : memref<10000x128xf32, #tpu.memory_space<hbm>>) target(%arg22 : memref<80x128xf32, #tpu.memory_space<vmem>>) offsets(%arg10 : memref<80xi32, #tpu.memory_space<vmem>>) semaphore(%arg26 : memref<!tpu.dma_semaphore, #tpu.memory_space<semaphore_mem>>)
    %dma_wait3A_32 = arith.constant 0 : i32
    %dma_wait3A_33 = tpu.memref_slice %arg3[%dma_wait3A_32] : memref<320000xi32, #tpu.memory_space<hbm>> -> memref<80xi32, #tpu.memory_space<hbm>>
    %dma_wait3A_34 = arith.constant 0 : i32
    %dma_wait3A_35 = tpu.memref_slice %arg3[%dma_wait3A_34] : memref<320000xi32, #tpu.memory_space<hbm>> -> memref<80xi32, #tpu.memory_space<hbm>>
    tpu.wait_dma2 semaphore(%arg19 : memref<!tpu.dma_semaphore, #tpu.memory_space<semaphore_mem>>) src(%dma_wait3A_35 : memref<80xi32, #tpu.memory_space<hbm>>) dst(%arg11 : memref<80xi32, #tpu.memory_space<vmem>>)
    %dma_wait3A_36 = arith.constant 0 : i32
    %dma_wait3A_37 = tpu.memref_slice %arg4[%dma_wait3A_36] : memref<320000xi32, #tpu.memory_space<hbm>> -> memref<80xi32, #tpu.memory_space<hbm>>
    %dma_wait3A_38 = arith.constant 0 : i32
    %dma_wait3A_39 = tpu.memref_slice %arg4[%dma_wait3A_38] : memref<320000xi32, #tpu.memory_space<hbm>> -> memref<80xi32, #tpu.memory_space<hbm>>
    tpu.wait_dma2 semaphore(%arg19 : memref<!tpu.dma_semaphore, #tpu.memory_space<semaphore_mem>>) src(%dma_wait3A_39 : memref<80xi32, #tpu.memory_space<hbm>>) dst(%arg15 : memref<80xi32, #tpu.memory_space<vmem>>)
    %dma_start3A_40 = arith.constant 0 : i32
    %dma_start3A_41 = arith.constant 0 : i32
    %dma_start3A_42 = tpu.memref_slice %arg2[%dma_start3A_40, %dma_start3A_41] : memref<10000x128xf32, #tpu.memory_space<hbm>> -> memref<10000x128xf32, #tpu.memory_space<hbm>>
    tpu.enqueue_indirect_dma source(%dma_start3A_42 : memref<10000x128xf32, #tpu.memory_space<hbm>>) target(%arg23 : memref<80x128xf32, #tpu.memory_space<vmem>>) offsets(%arg11 : memref<80xi32, #tpu.memory_space<vmem>>) semaphore(%arg27 : memref<!tpu.dma_semaphore, #tpu.memory_space<semaphore_mem>>)
    %scan3A = arith.constant 0 : i32
    %scan3A_43 = arith.constant 0 : i32
    %scan3A_44 = arith.constant 31 : i32
    %scan3A_45 = arith.addi %scan3A_43, %scan3A_44 : i32
    %scan3A_46 = arith.constant 1 : i32
    scf.for %scan3A_52 = %scan3A_43 to %scan3A_45 step %scan3A_46  : i32 {
      %mul3A_53 = arith.constant 4 : i32
      %mul3A_54 = arith.muli %mul3A_53, %scan3A_52 : i32
      %add3A_55 = arith.constant 0 : i32
      %add3A_56 = arith.addi %mul3A_54, %add3A_55 : i32
      %dma_wait3A_57 = arith.constant 0 : i32
      %dma_wait3A_58 = arith.constant 0 : i32
      %dma_wait3A_59 = tpu.memref_slice %arg2[%dma_wait3A_57, %dma_wait3A_58] : memref<10000x128xf32, #tpu.memory_space<hbm>> -> memref<10000x128xf32, #tpu.memory_space<hbm>>
      tpu.wait_indirect_dma semaphore(%arg26 : memref<!tpu.dma_semaphore, #tpu.memory_space<semaphore_mem>>) src(%dma_wait3A_59 : memref<10000x128xf32, #tpu.memory_space<hbm>>) dst(%arg22 : memref<80x128xf32, #tpu.memory_space<vmem>>)
      %add3A_60 = arith.constant 2 : i32
      %add3A_61 = arith.addi %add3A_56, %add3A_60 : i32
      %le3A = arith.constant 124 : i32
      %le3A_62 = arith.cmpi sle, %add3A_61, %le3A : i32
      %convert_element_type3A = arith.extui %le3A_62 : i1 to i32
      %cond3A = arith.constant 0 : i32
      %cond3A_63 = arith.cmpi ne, %convert_element_type3A, %cond3A : i32
      scf.if %cond3A_63 {
        %dma_wait3A_128 = arith.constant 0 : i32
        %dma_wait3A_129 = tpu.memref_slice %arg3[%dma_wait3A_128] : memref<320000xi32, #tpu.memory_space<hbm>> -> memref<80xi32, #tpu.memory_space<hbm>>
        %dma_wait3A_130 = arith.constant 0 : i32
        %dma_wait3A_131 = tpu.memref_slice %arg3[%dma_wait3A_130] : memref<320000xi32, #tpu.memory_space<hbm>> -> memref<80xi32, #tpu.memory_space<hbm>>
        tpu.wait_dma2 semaphore(%arg20 : memref<!tpu.dma_semaphore, #tpu.memory_space<semaphore_mem>>) src(%dma_wait3A_131 : memref<80xi32, #tpu.memory_space<hbm>>) dst(%arg12 : memref<80xi32, #tpu.memory_space<vmem>>)
        %dma_wait3A_132 = arith.constant 0 : i32
        %dma_wait3A_133 = tpu.memref_slice %arg4[%dma_wait3A_132] : memref<320000xi32, #tpu.memory_space<hbm>> -> memref<80xi32, #tpu.memory_space<hbm>>
        %dma_wait3A_134 = arith.constant 0 : i32
        %dma_wait3A_135 = tpu.memref_slice %arg4[%dma_wait3A_134] : memref<320000xi32, #tpu.memory_space<hbm>> -> memref<80xi32, #tpu.memory_space<hbm>>
        tpu.wait_dma2 semaphore(%arg20 : memref<!tpu.dma_semaphore, #tpu.memory_space<semaphore_mem>>) src(%dma_wait3A_135 : memref<80xi32, #tpu.memory_space<hbm>>) dst(%arg16 : memref<80xi32, #tpu.memory_space<vmem>>)
        %dma_start3A_136 = arith.constant 0 : i32
        %dma_start3A_137 = arith.constant 0 : i32
        %dma_start3A_138 = tpu.memref_slice %arg2[%dma_start3A_136, %dma_start3A_137] : memref<10000x128xf32, #tpu.memory_space<hbm>> -> memref<10000x128xf32, #tpu.memory_space<hbm>>
        tpu.enqueue_indirect_dma source(%dma_start3A_138 : memref<10000x128xf32, #tpu.memory_space<hbm>>) target(%arg24 : memref<80x128xf32, #tpu.memory_space<vmem>>) offsets(%arg12 : memref<80xi32, #tpu.memory_space<vmem>>) semaphore(%arg28 : memref<!tpu.dma_semaphore, #tpu.memory_space<semaphore_mem>>)
      } else {
      }
      %add3A_64 = arith.constant 3 : i32
      %add3A_65 = arith.addi %add3A_56, %add3A_64 : i32
      %le3A_66 = arith.constant 124 : i32
      %le3A_67 = arith.cmpi sle, %add3A_65, %le3A_66 : i32
      %convert_element_type3A_68 = arith.extui %le3A_67 : i1 to i32
      %cond3A_69 = arith.constant 0 : i32
      %cond3A_70 = arith.cmpi ne, %convert_element_type3A_68, %cond3A_69 : i32
      scf.if %cond3A_70 {
        %add3A_128 = arith.constant 3 : i32
        %add3A_129 = arith.addi %add3A_56, %add3A_128 : i32
        %mul3A_130 = arith.constant 80 : i32
        %mul3A_131 = arith.muli %add3A_129, %mul3A_130 : i32
        %add3A_132 = arith.addi %mul3A_4, %mul3A_131 : i32
        %dma_start3A_133 = tpu.memref_slice %arg3[%add3A_132] : memref<320000xi32, #tpu.memory_space<hbm>> -> memref<80xi32, #tpu.memory_space<hbm>>
        %dma_start3A_134 = tpu.memref_slice %arg3[%add3A_132] : memref<320000xi32, #tpu.memory_space<hbm>> -> memref<80xi32, #tpu.memory_space<hbm>>
        tpu.enqueue_dma source(%dma_start3A_134 : memref<80xi32, #tpu.memory_space<hbm>>) target(%arg13 : memref<80xi32, #tpu.memory_space<vmem>>) target_semaphore(%arg21 : memref<!tpu.dma_semaphore, #tpu.memory_space<semaphore_mem>>)
        %dma_start3A_135 = tpu.memref_slice %arg4[%add3A_132] : memref<320000xi32, #tpu.memory_space<hbm>> -> memref<80xi32, #tpu.memory_space<hbm>>
        %dma_start3A_136 = tpu.memref_slice %arg4[%add3A_132] : memref<320000xi32, #tpu.memory_space<hbm>> -> memref<80xi32, #tpu.memory_space<hbm>>
        tpu.enqueue_dma source(%dma_start3A_136 : memref<80xi32, #tpu.memory_space<hbm>>) target(%arg17 : memref<80xi32, #tpu.memory_space<vmem>>) target_semaphore(%arg21 : memref<!tpu.dma_semaphore, #tpu.memory_space<semaphore_mem>>)
      } else {
      }
      "tpu.region"() ({
        %run_scoped3A = tpu.sem_alloc : memref<!tpu.dma_semaphore, #tpu.memory_space<semaphore_mem>>
        %dma_start3A_128 = arith.constant 0 : i32
        %dma_start3A_129 = arith.constant 0 : i32
        %dma_start3A_130 = tpu.memref_slice %arg9[%dma_start3A_128, %dma_start3A_129] : memref<10240x128xf32, #tpu.memory_space<vmem_shared>> -> memref<10240x128xf32, #tpu.memory_space<vmem_shared>>
        tpu.enqueue_indirect_dma source(%arg22 : memref<80x128xf32, #tpu.memory_space<vmem>>) target(%dma_start3A_130 : memref<10240x128xf32, #tpu.memory_space<vmem_shared>>) offsets(%arg14 : memref<80xi32, #tpu.memory_space<vmem>>) semaphore(%run_scoped3A : memref<!tpu.dma_semaphore, #tpu.memory_space<semaphore_mem>>) {add = true}
        %dma_wait3A_131 = arith.constant 0 : i32
        %dma_wait3A_132 = arith.constant 0 : i32
        %dma_wait3A_133 = tpu.memref_slice %arg9[%dma_wait3A_131, %dma_wait3A_132] : memref<10240x128xf32, #tpu.memory_space<vmem_shared>> -> memref<10240x128xf32, #tpu.memory_space<vmem_shared>>
        tpu.wait_indirect_dma semaphore(%run_scoped3A : memref<!tpu.dma_semaphore, #tpu.memory_space<semaphore_mem>>) src(%arg22 : memref<80x128xf32, #tpu.memory_space<vmem>>) dst(%dma_wait3A_133 : memref<10240x128xf32, #tpu.memory_space<vmem_shared>>)
        tpu.yield
      }) : () -> ()
      %add3A_71 = arith.constant 1 : i32
      %add3A_72 = arith.addi %mul3A_54, %add3A_71 : i32
      %dma_wait3A_73 = arith.constant 0 : i32
      %dma_wait3A_74 = arith.constant 0 : i32
      %dma_wait3A_75 = tpu.memref_slice %arg2[%dma_wait3A_73, %dma_wait3A_74] : memref<10000x128xf32, #tpu.memory_space<hbm>> -> memref<10000x128xf32, #tpu.memory_space<hbm>>
      tpu.wait_indirect_dma semaphore(%arg27 : memref<!tpu.dma_semaphore, #tpu.memory_space<semaphore_mem>>) src(%dma_wait3A_75 : memref<10000x128xf32, #tpu.memory_space<hbm>>) dst(%arg23 : memref<80x128xf32, #tpu.memory_space<vmem>>)
      %add3A_76 = arith.constant 2 : i32
      %add3A_77 = arith.addi %add3A_72, %add3A_76 : i32
      %le3A_78 = arith.constant 124 : i32
      %le3A_79 = arith.cmpi sle, %add3A_77, %le3A_78 : i32
      %convert_element_type3A_80 = arith.extui %le3A_79 : i1 to i32
      %cond3A_81 = arith.constant 0 : i32
      %cond3A_82 = arith.cmpi ne, %convert_element_type3A_80, %cond3A_81 : i32
      scf.if %cond3A_82 {
        %dma_wait3A_128 = arith.constant 0 : i32
        %dma_wait3A_129 = tpu.memref_slice %arg3[%dma_wait3A_128] : memref<320000xi32, #tpu.memory_space<hbm>> -> memref<80xi32, #tpu.memory_space<hbm>>
        %dma_wait3A_130 = arith.constant 0 : i32
        %dma_wait3A_131 = tpu.memref_slice %arg3[%dma_wait3A_130] : memref<320000xi32, #tpu.memory_space<hbm>> -> memref<80xi32, #tpu.memory_space<hbm>>
        tpu.wait_dma2 semaphore(%arg21 : memref<!tpu.dma_semaphore, #tpu.memory_space<semaphore_mem>>) src(%dma_wait3A_131 : memref<80xi32, #tpu.memory_space<hbm>>) dst(%arg13 : memref<80xi32, #tpu.memory_space<vmem>>)
        %dma_wait3A_132 = arith.constant 0 : i32
        %dma_wait3A_133 = tpu.memref_slice %arg4[%dma_wait3A_132] : memref<320000xi32, #tpu.memory_space<hbm>> -> memref<80xi32, #tpu.memory_space<hbm>>
        %dma_wait3A_134 = arith.constant 0 : i32
        %dma_wait3A_135 = tpu.memref_slice %arg4[%dma_wait3A_134] : memref<320000xi32, #tpu.memory_space<hbm>> -> memref<80xi32, #tpu.memory_space<hbm>>
        tpu.wait_dma2 semaphore(%arg21 : memref<!tpu.dma_semaphore, #tpu.memory_space<semaphore_mem>>) src(%dma_wait3A_135 : memref<80xi32, #tpu.memory_space<hbm>>) dst(%arg17 : memref<80xi32, #tpu.memory_space<vmem>>)
        %dma_start3A_136 = arith.constant 0 : i32
        %dma_start3A_137 = arith.constant 0 : i32
        %dma_start3A_138 = tpu.memref_slice %arg2[%dma_start3A_136, %dma_start3A_137] : memref<10000x128xf32, #tpu.memory_space<hbm>> -> memref<10000x128xf32, #tpu.memory_space<hbm>>
        tpu.enqueue_indirect_dma source(%dma_start3A_138 : memref<10000x128xf32, #tpu.memory_space<hbm>>) target(%arg25 : memref<80x128xf32, #tpu.memory_space<vmem>>) offsets(%arg13 : memref<80xi32, #tpu.memory_space<vmem>>) semaphore(%arg29 : memref<!tpu.dma_semaphore, #tpu.memory_space<semaphore_mem>>)
      } else {
      }
      %add3A_83 = arith.constant 3 : i32
      %add3A_84 = arith.addi %add3A_72, %add3A_83 : i32
      %le3A_85 = arith.constant 124 : i32
      %le3A_86 = arith.cmpi sle, %add3A_84, %le3A_85 : i32
      %convert_element_type3A_87 = arith.extui %le3A_86 : i1 to i32
      %cond3A_88 = arith.constant 0 : i32
      %cond3A_89 = arith.cmpi ne, %convert_element_type3A_87, %cond3A_88 : i32
      scf.if %cond3A_89 {
        %add3A_128 = arith.constant 3 : i32
        %add3A_129 = arith.addi %add3A_72, %add3A_128 : i32
        %mul3A_130 = arith.constant 80 : i32
        %mul3A_131 = arith.muli %add3A_129, %mul3A_130 : i32
        %add3A_132 = arith.addi %mul3A_4, %mul3A_131 : i32
        %dma_start3A_133 = tpu.memref_slice %arg3[%add3A_132] : memref<320000xi32, #tpu.memory_space<hbm>> -> memref<80xi32, #tpu.memory_space<hbm>>
        %dma_start3A_134 = tpu.memref_slice %arg3[%add3A_132] : memref<320000xi32, #tpu.memory_space<hbm>> -> memref<80xi32, #tpu.memory_space<hbm>>
        tpu.enqueue_dma source(%dma_start3A_134 : memref<80xi32, #tpu.memory_space<hbm>>) target(%arg10 : memref<80xi32, #tpu.memory_space<vmem>>) target_semaphore(%arg18 : memref<!tpu.dma_semaphore, #tpu.memory_space<semaphore_mem>>)
        %dma_start3A_135 = tpu.memref_slice %arg4[%add3A_132] : memref<320000xi32, #tpu.memory_space<hbm>> -> memref<80xi32, #tpu.memory_space<hbm>>
        %dma_start3A_136 = tpu.memref_slice %arg4[%add3A_132] : memref<320000xi32, #tpu.memory_space<hbm>> -> memref<80xi32, #tpu.memory_space<hbm>>
        tpu.enqueue_dma source(%dma_start3A_136 : memref<80xi32, #tpu.memory_space<hbm>>) target(%arg14 : memref<80xi32, #tpu.memory_space<vmem>>) target_semaphore(%arg18 : memref<!tpu.dma_semaphore, #tpu.memory_space<semaphore_mem>>)
      } else {
      }
      "tpu.region"() ({
        %run_scoped3A = tpu.sem_alloc : memref<!tpu.dma_semaphore, #tpu.memory_space<semaphore_mem>>
        %dma_start3A_128 = arith.constant 0 : i32
        %dma_start3A_129 = arith.constant 0 : i32
        %dma_start3A_130 = tpu.memref_slice %arg9[%dma_start3A_128, %dma_start3A_129] : memref<10240x128xf32, #tpu.memory_space<vmem_shared>> -> memref<10240x128xf32, #tpu.memory_space<vmem_shared>>
        tpu.enqueue_indirect_dma source(%arg23 : memref<80x128xf32, #tpu.memory_space<vmem>>) target(%dma_start3A_130 : memref<10240x128xf32, #tpu.memory_space<vmem_shared>>) offsets(%arg15 : memref<80xi32, #tpu.memory_space<vmem>>) semaphore(%run_scoped3A : memref<!tpu.dma_semaphore, #tpu.memory_space<semaphore_mem>>) {add = true}
        %dma_wait3A_131 = arith.constant 0 : i32
        %dma_wait3A_132 = arith.constant 0 : i32
        %dma_wait3A_133 = tpu.memref_slice %arg9[%dma_wait3A_131, %dma_wait3A_132] : memref<10240x128xf32, #tpu.memory_space<vmem_shared>> -> memref<10240x128xf32, #tpu.memory_space<vmem_shared>>
        tpu.wait_indirect_dma semaphore(%run_scoped3A : memref<!tpu.dma_semaphore, #tpu.memory_space<semaphore_mem>>) src(%arg23 : memref<80x128xf32, #tpu.memory_space<vmem>>) dst(%dma_wait3A_133 : memref<10240x128xf32, #tpu.memory_space<vmem_shared>>)
        tpu.yield
      }) : () -> ()
      %add3A_90 = arith.constant 2 : i32
      %add3A_91 = arith.addi %mul3A_54, %add3A_90 : i32
      %dma_wait3A_92 = arith.constant 0 : i32
      %dma_wait3A_93 = arith.constant 0 : i32
      %dma_wait3A_94 = tpu.memref_slice %arg2[%dma_wait3A_92, %dma_wait3A_93] : memref<10000x128xf32, #tpu.memory_space<hbm>> -> memref<10000x128xf32, #tpu.memory_space<hbm>>
      tpu.wait_indirect_dma semaphore(%arg28 : memref<!tpu.dma_semaphore, #tpu.memory_space<semaphore_mem>>) src(%dma_wait3A_94 : memref<10000x128xf32, #tpu.memory_space<hbm>>) dst(%arg24 : memref<80x128xf32, #tpu.memory_space<vmem>>)
      %add3A_95 = arith.constant 2 : i32
      %add3A_96 = arith.addi %add3A_91, %add3A_95 : i32
      %le3A_97 = arith.constant 124 : i32
      %le3A_98 = arith.cmpi sle, %add3A_96, %le3A_97 : i32
      %convert_element_type3A_99 = arith.extui %le3A_98 : i1 to i32
      %cond3A_100 = arith.constant 0 : i32
      %cond3A_101 = arith.cmpi ne, %convert_element_type3A_99, %cond3A_100 : i32
      scf.if %cond3A_101 {
        %dma_wait3A_128 = arith.constant 0 : i32
        %dma_wait3A_129 = tpu.memref_slice %arg3[%dma_wait3A_128] : memref<320000xi32, #tpu.memory_space<hbm>> -> memref<80xi32, #tpu.memory_space<hbm>>
        %dma_wait3A_130 = arith.constant 0 : i32
        %dma_wait3A_131 = tpu.memref_slice %arg3[%dma_wait3A_130] : memref<320000xi32, #tpu.memory_space<hbm>> -> memref<80xi32, #tpu.memory_space<hbm>>
        tpu.wait_dma2 semaphore(%arg18 : memref<!tpu.dma_semaphore, #tpu.memory_space<semaphore_mem>>) src(%dma_wait3A_131 : memref<80xi32, #tpu.memory_space<hbm>>) dst(%arg10 : memref<80xi32, #tpu.memory_space<vmem>>)
        %dma_wait3A_132 = arith.constant 0 : i32
        %dma_wait3A_133 = tpu.memref_slice %arg4[%dma_wait3A_132] : memref<320000xi32, #tpu.memory_space<hbm>> -> memref<80xi32, #tpu.memory_space<hbm>>
        %dma_wait3A_134 = arith.constant 0 : i32
        %dma_wait3A_135 = tpu.memref_slice %arg4[%dma_wait3A_134] : memref<320000xi32, #tpu.memory_space<hbm>> -> memref<80xi32, #tpu.memory_space<hbm>>
        tpu.wait_dma2 semaphore(%arg18 : memref<!tpu.dma_semaphore, #tpu.memory_space<semaphore_mem>>) src(%dma_wait3A_135 : memref<80xi32, #tpu.memory_space<hbm>>) dst(%arg14 : memref<80xi32, #tpu.memory_space<vmem>>)
        %dma_start3A_136 = arith.constant 0 : i32
        %dma_start3A_137 = arith.constant 0 : i32
        %dma_start3A_138 = tpu.memref_slice %arg2[%dma_start3A_136, %dma_start3A_137] : memref<10000x128xf32, #tpu.memory_space<hbm>> -> memref<10000x128xf32, #tpu.memory_space<hbm>>
        tpu.enqueue_indirect_dma source(%dma_start3A_138 : memref<10000x128xf32, #tpu.memory_space<hbm>>) target(%arg22 : memref<80x128xf32, #tpu.memory_space<vmem>>) offsets(%arg10 : memref<80xi32, #tpu.memory_space<vmem>>) semaphore(%arg26 : memref<!tpu.dma_semaphore, #tpu.memory_space<semaphore_mem>>)
      } else {
      }
      %add3A_102 = arith.constant 3 : i32
      %add3A_103 = arith.addi %add3A_91, %add3A_102 : i32
      %le3A_104 = arith.constant 124 : i32
      %le3A_105 = arith.cmpi sle, %add3A_103, %le3A_104 : i32
      %convert_element_type3A_106 = arith.extui %le3A_105 : i1 to i32
      %cond3A_107 = arith.constant 0 : i32
      %cond3A_108 = arith.cmpi ne, %convert_element_type3A_106, %cond3A_107 : i32
      scf.if %cond3A_108 {
        %add3A_128 = arith.constant 3 : i32
        %add3A_129 = arith.addi %add3A_91, %add3A_128 : i32
        %mul3A_130 = arith.constant 80 : i32
        %mul3A_131 = arith.muli %add3A_129, %mul3A_130 : i32
        %add3A_132 = arith.addi %mul3A_4, %mul3A_131 : i32
        %dma_start3A_133 = tpu.memref_slice %arg3[%add3A_132] : memref<320000xi32, #tpu.memory_space<hbm>> -> memref<80xi32, #tpu.memory_space<hbm>>
        %dma_start3A_134 = tpu.memref_slice %arg3[%add3A_132] : memref<320000xi32, #tpu.memory_space<hbm>> -> memref<80xi32, #tpu.memory_space<hbm>>
        tpu.enqueue_dma source(%dma_start3A_134 : memref<80xi32, #tpu.memory_space<hbm>>) target(%arg11 : memref<80xi32, #tpu.memory_space<vmem>>) target_semaphore(%arg19 : memref<!tpu.dma_semaphore, #tpu.memory_space<semaphore_mem>>)
        %dma_start3A_135 = tpu.memref_slice %arg4[%add3A_132] : memref<320000xi32, #tpu.memory_space<hbm>> -> memref<80xi32, #tpu.memory_space<hbm>>
        %dma_start3A_136 = tpu.memref_slice %arg4[%add3A_132] : memref<320000xi32, #tpu.memory_space<hbm>> -> memref<80xi32, #tpu.memory_space<hbm>>
        tpu.enqueue_dma source(%dma_start3A_136 : memref<80xi32, #tpu.memory_space<hbm>>) target(%arg15 : memref<80xi32, #tpu.memory_space<vmem>>) target_semaphore(%arg19 : memref<!tpu.dma_semaphore, #tpu.memory_space<semaphore_mem>>)
      } else {
      }
      "tpu.region"() ({
        %run_scoped3A = tpu.sem_alloc : memref<!tpu.dma_semaphore, #tpu.memory_space<semaphore_mem>>
        %dma_start3A_128 = arith.constant 0 : i32
        %dma_start3A_129 = arith.constant 0 : i32
        %dma_start3A_130 = tpu.memref_slice %arg9[%dma_start3A_128, %dma_start3A_129] : memref<10240x128xf32, #tpu.memory_space<vmem_shared>> -> memref<10240x128xf32, #tpu.memory_space<vmem_shared>>
        tpu.enqueue_indirect_dma source(%arg24 : memref<80x128xf32, #tpu.memory_space<vmem>>) target(%dma_start3A_130 : memref<10240x128xf32, #tpu.memory_space<vmem_shared>>) offsets(%arg16 : memref<80xi32, #tpu.memory_space<vmem>>) semaphore(%run_scoped3A : memref<!tpu.dma_semaphore, #tpu.memory_space<semaphore_mem>>) {add = true}
        %dma_wait3A_131 = arith.constant 0 : i32
        %dma_wait3A_132 = arith.constant 0 : i32
        %dma_wait3A_133 = tpu.memref_slice %arg9[%dma_wait3A_131, %dma_wait3A_132] : memref<10240x128xf32, #tpu.memory_space<vmem_shared>> -> memref<10240x128xf32, #tpu.memory_space<vmem_shared>>
        tpu.wait_indirect_dma semaphore(%run_scoped3A : memref<!tpu.dma_semaphore, #tpu.memory_space<semaphore_mem>>) src(%arg24 : memref<80x128xf32, #tpu.memory_space<vmem>>) dst(%dma_wait3A_133 : memref<10240x128xf32, #tpu.memory_space<vmem_shared>>)
        tpu.yield
      }) : () -> ()
      %add3A_109 = arith.constant 3 : i32
      %add3A_110 = arith.addi %mul3A_54, %add3A_109 : i32
      %dma_wait3A_111 = arith.constant 0 : i32
      %dma_wait3A_112 = arith.constant 0 : i32
      %dma_wait3A_113 = tpu.memref_slice %arg2[%dma_wait3A_111, %dma_wait3A_112] : memref<10000x128xf32, #tpu.memory_space<hbm>> -> memref<10000x128xf32, #tpu.memory_space<hbm>>
      tpu.wait_indirect_dma semaphore(%arg29 : memref<!tpu.dma_semaphore, #tpu.memory_space<semaphore_mem>>) src(%dma_wait3A_113 : memref<10000x128xf32, #tpu.memory_space<hbm>>) dst(%arg25 : memref<80x128xf32, #tpu.memory_space<vmem>>)
      %add3A_114 = arith.constant 2 : i32
      %add3A_115 = arith.addi %add3A_110, %add3A_114 : i32
      %le3A_116 = arith.constant 124 : i32
      %le3A_117 = arith.cmpi sle, %add3A_115, %le3A_116 : i32
      %convert_element_type3A_118 = arith.extui %le3A_117 : i1 to i32
      %cond3A_119 = arith.constant 0 : i32
      %cond3A_120 = arith.cmpi ne, %convert_element_type3A_118, %cond3A_119 : i32
      scf.if %cond3A_120 {
        %dma_wait3A_128 = arith.constant 0 : i32
        %dma_wait3A_129 = tpu.memref_slice %arg3[%dma_wait3A_128] : memref<320000xi32, #tpu.memory_space<hbm>> -> memref<80xi32, #tpu.memory_space<hbm>>
        %dma_wait3A_130 = arith.constant 0 : i32
        %dma_wait3A_131 = tpu.memref_slice %arg3[%dma_wait3A_130] : memref<320000xi32, #tpu.memory_space<hbm>> -> memref<80xi32, #tpu.memory_space<hbm>>
        tpu.wait_dma2 semaphore(%arg19 : memref<!tpu.dma_semaphore, #tpu.memory_space<semaphore_mem>>) src(%dma_wait3A_131 : memref<80xi32, #tpu.memory_space<hbm>>) dst(%arg11 : memref<80xi32, #tpu.memory_space<vmem>>)
        %dma_wait3A_132 = arith.constant 0 : i32
        %dma_wait3A_133 = tpu.memref_slice %arg4[%dma_wait3A_132] : memref<320000xi32, #tpu.memory_space<hbm>> -> memref<80xi32, #tpu.memory_space<hbm>>
        %dma_wait3A_134 = arith.constant 0 : i32
        %dma_wait3A_135 = tpu.memref_slice %arg4[%dma_wait3A_134] : memref<320000xi32, #tpu.memory_space<hbm>> -> memref<80xi32, #tpu.memory_space<hbm>>
        tpu.wait_dma2 semaphore(%arg19 : memref<!tpu.dma_semaphore, #tpu.memory_space<semaphore_mem>>) src(%dma_wait3A_135 : memref<80xi32, #tpu.memory_space<hbm>>) dst(%arg15 : memref<80xi32, #tpu.memory_space<vmem>>)
        %dma_start3A_136 = arith.constant 0 : i32
        %dma_start3A_137 = arith.constant 0 : i32
        %dma_start3A_138 = tpu.memref_slice %arg2[%dma_start3A_136, %dma_start3A_137] : memref<10000x128xf32, #tpu.memory_space<hbm>> -> memref<10000x128xf32, #tpu.memory_space<hbm>>
        tpu.enqueue_indirect_dma source(%dma_start3A_138 : memref<10000x128xf32, #tpu.memory_space<hbm>>) target(%arg23 : memref<80x128xf32, #tpu.memory_space<vmem>>) offsets(%arg11 : memref<80xi32, #tpu.memory_space<vmem>>) semaphore(%arg27 : memref<!tpu.dma_semaphore, #tpu.memory_space<semaphore_mem>>)
      } else {
      }
      %add3A_121 = arith.constant 3 : i32
      %add3A_122 = arith.addi %add3A_110, %add3A_121 : i32
      %le3A_123 = arith.constant 124 : i32
      %le3A_124 = arith.cmpi sle, %add3A_122, %le3A_123 : i32
      %convert_element_type3A_125 = arith.extui %le3A_124 : i1 to i32
      %cond3A_126 = arith.constant 0 : i32
      %cond3A_127 = arith.cmpi ne, %convert_element_type3A_125, %cond3A_126 : i32
      scf.if %cond3A_127 {
        %add3A_128 = arith.constant 3 : i32
        %add3A_129 = arith.addi %add3A_110, %add3A_128 : i32
        %mul3A_130 = arith.constant 80 : i32
        %mul3A_131 = arith.muli %add3A_129, %mul3A_130 : i32
        %add3A_132 = arith.addi %mul3A_4, %mul3A_131 : i32
        %dma_start3A_133 = tpu.memref_slice %arg3[%add3A_132] : memref<320000xi32, #tpu.memory_space<hbm>> -> memref<80xi32, #tpu.memory_space<hbm>>
        %dma_start3A_134 = tpu.memref_slice %arg3[%add3A_132] : memref<320000xi32, #tpu.memory_space<hbm>> -> memref<80xi32, #tpu.memory_space<hbm>>
        tpu.enqueue_dma source(%dma_start3A_134 : memref<80xi32, #tpu.memory_space<hbm>>) target(%arg12 : memref<80xi32, #tpu.memory_space<vmem>>) target_semaphore(%arg20 : memref<!tpu.dma_semaphore, #tpu.memory_space<semaphore_mem>>)
        %dma_start3A_135 = tpu.memref_slice %arg4[%add3A_132] : memref<320000xi32, #tpu.memory_space<hbm>> -> memref<80xi32, #tpu.memory_space<hbm>>
        %dma_start3A_136 = tpu.memref_slice %arg4[%add3A_132] : memref<320000xi32, #tpu.memory_space<hbm>> -> memref<80xi32, #tpu.memory_space<hbm>>
        tpu.enqueue_dma source(%dma_start3A_136 : memref<80xi32, #tpu.memory_space<hbm>>) target(%arg16 : memref<80xi32, #tpu.memory_space<vmem>>) target_semaphore(%arg20 : memref<!tpu.dma_semaphore, #tpu.memory_space<semaphore_mem>>)
      } else {
      }
      "tpu.region"() ({
        %run_scoped3A = tpu.sem_alloc : memref<!tpu.dma_semaphore, #tpu.memory_space<semaphore_mem>>
        %dma_start3A_128 = arith.constant 0 : i32
        %dma_start3A_129 = arith.constant 0 : i32
        %dma_start3A_130 = tpu.memref_slice %arg9[%dma_start3A_128, %dma_start3A_129] : memref<10240x128xf32, #tpu.memory_space<vmem_shared>> -> memref<10240x128xf32, #tpu.memory_space<vmem_shared>>
        tpu.enqueue_indirect_dma source(%arg25 : memref<80x128xf32, #tpu.memory_space<vmem>>) target(%dma_start3A_130 : memref<10240x128xf32, #tpu.memory_space<vmem_shared>>) offsets(%arg17 : memref<80xi32, #tpu.memory_space<vmem>>) semaphore(%run_scoped3A : memref<!tpu.dma_semaphore, #tpu.memory_space<semaphore_mem>>) {add = true}
        %dma_wait3A_131 = arith.constant 0 : i32
        %dma_wait3A_132 = arith.constant 0 : i32
        %dma_wait3A_133 = tpu.memref_slice %arg9[%dma_wait3A_131, %dma_wait3A_132] : memref<10240x128xf32, #tpu.memory_space<vmem_shared>> -> memref<10240x128xf32, #tpu.memory_space<vmem_shared>>
        tpu.wait_indirect_dma semaphore(%run_scoped3A : memref<!tpu.dma_semaphore, #tpu.memory_space<semaphore_mem>>) src(%arg25 : memref<80x128xf32, #tpu.memory_space<vmem>>) dst(%dma_wait3A_133 : memref<10240x128xf32, #tpu.memory_space<vmem_shared>>)
        tpu.yield
      }) : () -> ()
    }
    %scan3A_47 = arith.constant 31 : i32
    %dma_wait3A_48 = arith.constant 0 : i32
    %dma_wait3A_49 = arith.constant 0 : i32
    %dma_wait3A_50 = tpu.memref_slice %arg2[%dma_wait3A_48, %dma_wait3A_49] : memref<10000x128xf32, #tpu.memory_space<hbm>> -> memref<10000x128xf32, #tpu.memory_space<hbm>>
    tpu.wait_indirect_dma semaphore(%arg26 : memref<!tpu.dma_semaphore, #tpu.memory_space<semaphore_mem>>) src(%dma_wait3A_50 : memref<10000x128xf32, #tpu.memory_space<hbm>>) dst(%arg22 : memref<80x128xf32, #tpu.memory_space<vmem>>)
    "tpu.region"() ({
      %run_scoped3A = tpu.sem_alloc : memref<!tpu.dma_semaphore, #tpu.memory_space<semaphore_mem>>
      %dma_start3A_52 = arith.constant 0 : i32
      %dma_start3A_53 = arith.constant 0 : i32
      %dma_start3A_54 = tpu.memref_slice %arg9[%dma_start3A_52, %dma_start3A_53] : memref<10240x128xf32, #tpu.memory_space<vmem_shared>> -> memref<10240x128xf32, #tpu.memory_space<vmem_shared>>
      tpu.enqueue_indirect_dma source(%arg22 : memref<80x128xf32, #tpu.memory_space<vmem>>) target(%dma_start3A_54 : memref<10240x128xf32, #tpu.memory_space<vmem_shared>>) offsets(%arg14 : memref<80xi32, #tpu.memory_space<vmem>>) semaphore(%run_scoped3A : memref<!tpu.dma_semaphore, #tpu.memory_space<semaphore_mem>>) {add = true}
      %dma_wait3A_55 = arith.constant 0 : i32
      %dma_wait3A_56 = arith.constant 0 : i32
      %dma_wait3A_57 = tpu.memref_slice %arg9[%dma_wait3A_55, %dma_wait3A_56] : memref<10240x128xf32, #tpu.memory_space<vmem_shared>> -> memref<10240x128xf32, #tpu.memory_space<vmem_shared>>
      tpu.wait_indirect_dma semaphore(%run_scoped3A : memref<!tpu.dma_semaphore, #tpu.memory_space<semaphore_mem>>) src(%arg22 : memref<80x128xf32, #tpu.memory_space<vmem>>) dst(%dma_wait3A_57 : memref<10240x128xf32, #tpu.memory_space<vmem_shared>>)
      tpu.yield
    }) : () -> ()
    %barrier3A_51 = arith.constant 0 : index
    tpu.barrier barrier_id(%barrier3A_51)
    "tpu.region"() ({
      %run_scoped3A = tpu.sem_alloc : memref<!tpu.dma_semaphore, #tpu.memory_space<semaphore_mem>>
      %dma_start3A_52 = arith.constant 0 : i32
      %dma_start3A_53 = tpu.memref_slice %arg8[%arg0, %mul3A_2, %dma_start3A_52] : memref<2x10240x128xf32, #tpu.memory_space<hbm>> -> memref<1x640x128xf32, #tpu.memory_space<hbm>>
      %dma_start3A_54 = tpu.memref_squeeze %dma_start3A_53 : memref<1x640x128xf32, #tpu.memory_space<hbm>> -> memref<640x128xf32, #tpu.memory_space<hbm>>
      %dma_start3A_55 = arith.constant 0 : i32
      %dma_start3A_56 = tpu.memref_slice %arg9[%mul3A_2, %dma_start3A_55] : memref<10240x128xf32, #tpu.memory_space<vmem_shared>> -> memref<640x128xf32, #tpu.memory_space<vmem_shared>>
      tpu.enqueue_dma source(%dma_start3A_56 : memref<640x128xf32, #tpu.memory_space<vmem_shared>>) target(%dma_start3A_54 : memref<640x128xf32, #tpu.memory_space<hbm>>) target_semaphore(%run_scoped3A : memref<!tpu.dma_semaphore, #tpu.memory_space<semaphore_mem>>)
      %dma_wait3A_57 = arith.constant 0 : i32
      %dma_wait3A_58 = tpu.memref_slice %arg8[%arg0, %mul3A_2, %dma_wait3A_57] : memref<2x10240x128xf32, #tpu.memory_space<hbm>> -> memref<1x640x128xf32, #tpu.memory_space<hbm>>
      %dma_wait3A_59 = tpu.memref_squeeze %dma_wait3A_58 : memref<1x640x128xf32, #tpu.memory_space<hbm>> -> memref<640x128xf32, #tpu.memory_space<hbm>>
      %dma_wait3A_60 = arith.constant 0 : i32
      %dma_wait3A_61 = tpu.memref_slice %arg9[%mul3A_2, %dma_wait3A_60] : memref<10240x128xf32, #tpu.memory_space<vmem_shared>> -> memref<640x128xf32, #tpu.memory_space<vmem_shared>>
      tpu.wait_dma2 semaphore(%run_scoped3A : memref<!tpu.dma_semaphore, #tpu.memory_space<semaphore_mem>>) src(%dma_wait3A_61 : memref<640x128xf32, #tpu.memory_space<vmem_shared>>) dst(%dma_wait3A_59 : memref<640x128xf32, #tpu.memory_space<hbm>>)
      tpu.yield
    }) : () -> ()
    return
  }
}

#map = affine_map<(d0, d1) -> (0, 0)>
#map1 = affine_map<(d0, d1) -> (0)>
#map2 = affine_map<(d0, d1) -> (0, 0, 0)>
module attributes {stable_mosaic.version = 14 : i64} {
  func.func @body(%arg0: i32, %arg1: i32, %arg2: memref<10000x128xf32, #tpu.memory_space<hbm>>, %arg3: memref<320000xi32, #tpu.memory_space<hbm>>, %arg4: memref<320000xi32, #tpu.memory_space<hbm>>, %arg5: memref<10240x128xf32, #tpu.memory_space<hbm>>, %arg6: memref<10240xf32, #tpu.memory_space<hbm>>, %arg7: memref<80xf32, #tpu.memory_space<hbm>>, %arg8: memref<2x10240x128xf32, #tpu.memory_space<hbm>>, %arg9: memref<2x10240xf32, #tpu.memory_space<hbm>>, %arg10: memref<10240x128xf32, #tpu.memory_space<vmem_shared>>, %arg11: memref<80xi32, #tpu.memory_space<vmem>>, %arg12: memref<80xi32, #tpu.memory_space<vmem>>, %arg13: memref<80xi32, #tpu.memory_space<vmem>>, %arg14: memref<80xi32, #tpu.memory_space<vmem>>, %arg15: memref<80xi32, #tpu.memory_space<vmem>>, %arg16: memref<80xi32, #tpu.memory_space<vmem>>, %arg17: memref<80xi32, #tpu.memory_space<vmem>>, %arg18: memref<80xi32, #tpu.memory_space<vmem>>, %arg19: memref<!tpu.dma_semaphore, #tpu.memory_space<semaphore_mem>>, %arg20: memref<!tpu.dma_semaphore, #tpu.memory_space<semaphore_mem>>, %arg21: memref<!tpu.dma_semaphore, #tpu.memory_space<semaphore_mem>>, %arg22: memref<!tpu.dma_semaphore, #tpu.memory_space<semaphore_mem>>, %arg23: memref<80x128xf32, #tpu.memory_space<vmem>>, %arg24: memref<80x128xf32, #tpu.memory_space<vmem>>, %arg25: memref<80x128xf32, #tpu.memory_space<vmem>>, %arg26: memref<80x128xf32, #tpu.memory_space<vmem>>, %arg27: memref<!tpu.dma_semaphore, #tpu.memory_space<semaphore_mem>>, %arg28: memref<!tpu.dma_semaphore, #tpu.memory_space<semaphore_mem>>, %arg29: memref<!tpu.dma_semaphore, #tpu.memory_space<semaphore_mem>>, %arg30: memref<!tpu.dma_semaphore, #tpu.memory_space<semaphore_mem>>, %arg31: memref<10240xf32, #tpu.memory_space<vmem_shared>>, %arg32: memref<80xf32, #tpu.memory_space<vmem>>) attributes {dimension_semantics = [#tpu.dimension_semantics<core_parallel>, #tpu.dimension_semantics<subcore_parallel>], iteration_bounds = array<i64: 2, 16>, scalar_prefetch = 0 : i64, scratch_operands = 23 : i64, tpu.core_type = #tpu.core_type<sc_vector_subcore>, window_params = [{transform_indices = #map}, {transform_indices = #map1}, {transform_indices = #map1}, {transform_indices = #map}, {transform_indices = #map1}, {transform_indices = #map1}, {transform_indices = #map2}, {transform_indices = #map}]} {
    %mul3A = arith.constant 16 : i32
    %mul3A_0 = arith.muli %arg0, %mul3A : i32
    %add3A = arith.addi %mul3A_0, %arg1 : i32
    %mul3A_1 = arith.constant 640 : i32
    %mul3A_2 = arith.muli %arg1, %mul3A_1 : i32
    "tpu.region"() ({
      %run_scoped3A = tpu.sem_alloc : memref<!tpu.dma_semaphore, #tpu.memory_space<semaphore_mem>>
      %dma_start3A_52 = arith.constant 0 : i32
      %dma_start3A_53 = tpu.memref_slice %arg10[%mul3A_2, %dma_start3A_52] : memref<10240x128xf32, #tpu.memory_space<vmem_shared>> -> memref<640x128xf32, #tpu.memory_space<vmem_shared>>
      %dma_start3A_54 = arith.constant 0 : i32
      %dma_start3A_55 = tpu.memref_slice %arg5[%mul3A_2, %dma_start3A_54] : memref<10240x128xf32, #tpu.memory_space<hbm>> -> memref<640x128xf32, #tpu.memory_space<hbm>>
      tpu.enqueue_dma source(%dma_start3A_55 : memref<640x128xf32, #tpu.memory_space<hbm>>) target(%dma_start3A_53 : memref<640x128xf32, #tpu.memory_space<vmem_shared>>) target_semaphore(%run_scoped3A : memref<!tpu.dma_semaphore, #tpu.memory_space<semaphore_mem>>)
      %dma_wait3A_56 = arith.constant 0 : i32
      %dma_wait3A_57 = tpu.memref_slice %arg10[%mul3A_2, %dma_wait3A_56] : memref<10240x128xf32, #tpu.memory_space<vmem_shared>> -> memref<640x128xf32, #tpu.memory_space<vmem_shared>>
      %dma_wait3A_58 = arith.constant 0 : i32
      %dma_wait3A_59 = tpu.memref_slice %arg5[%mul3A_2, %dma_wait3A_58] : memref<10240x128xf32, #tpu.memory_space<hbm>> -> memref<640x128xf32, #tpu.memory_space<hbm>>
      tpu.wait_dma2 semaphore(%run_scoped3A : memref<!tpu.dma_semaphore, #tpu.memory_space<semaphore_mem>>) src(%dma_wait3A_59 : memref<640x128xf32, #tpu.memory_space<hbm>>) dst(%dma_wait3A_57 : memref<640x128xf32, #tpu.memory_space<vmem_shared>>)
      tpu.yield
    }) : () -> ()
    "tpu.region"() ({
      %run_scoped3A = tpu.sem_alloc : memref<!tpu.dma_semaphore, #tpu.memory_space<semaphore_mem>>
      %dma_start3A_52 = tpu.memref_slice %arg31[%mul3A_2] : memref<10240xf32, #tpu.memory_space<vmem_shared>> -> memref<640xf32, #tpu.memory_space<vmem_shared>>
      %dma_start3A_53 = tpu.memref_slice %arg6[%mul3A_2] : memref<10240xf32, #tpu.memory_space<hbm>> -> memref<640xf32, #tpu.memory_space<hbm>>
      tpu.enqueue_dma source(%dma_start3A_53 : memref<640xf32, #tpu.memory_space<hbm>>) target(%dma_start3A_52 : memref<640xf32, #tpu.memory_space<vmem_shared>>) target_semaphore(%run_scoped3A : memref<!tpu.dma_semaphore, #tpu.memory_space<semaphore_mem>>)
      %dma_wait3A_54 = tpu.memref_slice %arg31[%mul3A_2] : memref<10240xf32, #tpu.memory_space<vmem_shared>> -> memref<640xf32, #tpu.memory_space<vmem_shared>>
      %dma_wait3A_55 = tpu.memref_slice %arg6[%mul3A_2] : memref<10240xf32, #tpu.memory_space<hbm>> -> memref<640xf32, #tpu.memory_space<hbm>>
      tpu.wait_dma2 semaphore(%run_scoped3A : memref<!tpu.dma_semaphore, #tpu.memory_space<semaphore_mem>>) src(%dma_wait3A_55 : memref<640xf32, #tpu.memory_space<hbm>>) dst(%dma_wait3A_54 : memref<640xf32, #tpu.memory_space<vmem_shared>>)
      tpu.yield
    }) : () -> ()
    "tpu.region"() ({
      %run_scoped3A = tpu.sem_alloc : memref<!tpu.dma_semaphore, #tpu.memory_space<semaphore_mem>>
      tpu.enqueue_dma source(%arg7 : memref<80xf32, #tpu.memory_space<hbm>>) target(%arg32 : memref<80xf32, #tpu.memory_space<vmem>>) target_semaphore(%run_scoped3A : memref<!tpu.dma_semaphore, #tpu.memory_space<semaphore_mem>>)
      tpu.wait_dma2 semaphore(%run_scoped3A : memref<!tpu.dma_semaphore, #tpu.memory_space<semaphore_mem>>) src(%arg7 : memref<80xf32, #tpu.memory_space<hbm>>) dst(%arg32 : memref<80xf32, #tpu.memory_space<vmem>>)
      tpu.yield
    }) : () -> ()
    %barrier3A = arith.constant 0 : index
    tpu.barrier barrier_id(%barrier3A)
    %mul3A_3 = arith.constant 10000 : i32
    %mul3A_4 = arith.muli %add3A, %mul3A_3 : i32
    %add3A_5 = arith.constant 0 : i32
    %add3A_6 = arith.addi %mul3A_4, %add3A_5 : i32
    %dma_start3A = tpu.memref_slice %arg3[%add3A_6] : memref<320000xi32, #tpu.memory_space<hbm>> -> memref<80xi32, #tpu.memory_space<hbm>>
    %dma_start3A_7 = tpu.memref_slice %arg3[%add3A_6] : memref<320000xi32, #tpu.memory_space<hbm>> -> memref<80xi32, #tpu.memory_space<hbm>>
    tpu.enqueue_dma source(%dma_start3A_7 : memref<80xi32, #tpu.memory_space<hbm>>) target(%arg11 : memref<80xi32, #tpu.memory_space<vmem>>) target_semaphore(%arg19 : memref<!tpu.dma_semaphore, #tpu.memory_space<semaphore_mem>>)
    %dma_start3A_8 = tpu.memref_slice %arg4[%add3A_6] : memref<320000xi32, #tpu.memory_space<hbm>> -> memref<80xi32, #tpu.memory_space<hbm>>
    %dma_start3A_9 = tpu.memref_slice %arg4[%add3A_6] : memref<320000xi32, #tpu.memory_space<hbm>> -> memref<80xi32, #tpu.memory_space<hbm>>
    tpu.enqueue_dma source(%dma_start3A_9 : memref<80xi32, #tpu.memory_space<hbm>>) target(%arg15 : memref<80xi32, #tpu.memory_space<vmem>>) target_semaphore(%arg19 : memref<!tpu.dma_semaphore, #tpu.memory_space<semaphore_mem>>)
    %add3A_10 = arith.constant 80 : i32
    %add3A_11 = arith.addi %mul3A_4, %add3A_10 : i32
    %dma_start3A_12 = tpu.memref_slice %arg3[%add3A_11] : memref<320000xi32, #tpu.memory_space<hbm>> -> memref<80xi32, #tpu.memory_space<hbm>>
    %dma_start3A_13 = tpu.memref_slice %arg3[%add3A_11] : memref<320000xi32, #tpu.memory_space<hbm>> -> memref<80xi32, #tpu.memory_space<hbm>>
    tpu.enqueue_dma source(%dma_start3A_13 : memref<80xi32, #tpu.memory_space<hbm>>) target(%arg12 : memref<80xi32, #tpu.memory_space<vmem>>) target_semaphore(%arg20 : memref<!tpu.dma_semaphore, #tpu.memory_space<semaphore_mem>>)
    %dma_start3A_14 = tpu.memref_slice %arg4[%add3A_11] : memref<320000xi32, #tpu.memory_space<hbm>> -> memref<80xi32, #tpu.memory_space<hbm>>
    %dma_start3A_15 = tpu.memref_slice %arg4[%add3A_11] : memref<320000xi32, #tpu.memory_space<hbm>> -> memref<80xi32, #tpu.memory_space<hbm>>
    tpu.enqueue_dma source(%dma_start3A_15 : memref<80xi32, #tpu.memory_space<hbm>>) target(%arg16 : memref<80xi32, #tpu.memory_space<vmem>>) target_semaphore(%arg20 : memref<!tpu.dma_semaphore, #tpu.memory_space<semaphore_mem>>)
    %add3A_16 = arith.constant 160 : i32
    %add3A_17 = arith.addi %mul3A_4, %add3A_16 : i32
    %dma_start3A_18 = tpu.memref_slice %arg3[%add3A_17] : memref<320000xi32, #tpu.memory_space<hbm>> -> memref<80xi32, #tpu.memory_space<hbm>>
    %dma_start3A_19 = tpu.memref_slice %arg3[%add3A_17] : memref<320000xi32, #tpu.memory_space<hbm>> -> memref<80xi32, #tpu.memory_space<hbm>>
    tpu.enqueue_dma source(%dma_start3A_19 : memref<80xi32, #tpu.memory_space<hbm>>) target(%arg13 : memref<80xi32, #tpu.memory_space<vmem>>) target_semaphore(%arg21 : memref<!tpu.dma_semaphore, #tpu.memory_space<semaphore_mem>>)
    %dma_start3A_20 = tpu.memref_slice %arg4[%add3A_17] : memref<320000xi32, #tpu.memory_space<hbm>> -> memref<80xi32, #tpu.memory_space<hbm>>
    %dma_start3A_21 = tpu.memref_slice %arg4[%add3A_17] : memref<320000xi32, #tpu.memory_space<hbm>> -> memref<80xi32, #tpu.memory_space<hbm>>
    tpu.enqueue_dma source(%dma_start3A_21 : memref<80xi32, #tpu.memory_space<hbm>>) target(%arg17 : memref<80xi32, #tpu.memory_space<vmem>>) target_semaphore(%arg21 : memref<!tpu.dma_semaphore, #tpu.memory_space<semaphore_mem>>)
    %dma_wait3A = arith.constant 0 : i32
    %dma_wait3A_22 = tpu.memref_slice %arg3[%dma_wait3A] : memref<320000xi32, #tpu.memory_space<hbm>> -> memref<80xi32, #tpu.memory_space<hbm>>
    %dma_wait3A_23 = arith.constant 0 : i32
    %dma_wait3A_24 = tpu.memref_slice %arg3[%dma_wait3A_23] : memref<320000xi32, #tpu.memory_space<hbm>> -> memref<80xi32, #tpu.memory_space<hbm>>
    tpu.wait_dma2 semaphore(%arg19 : memref<!tpu.dma_semaphore, #tpu.memory_space<semaphore_mem>>) src(%dma_wait3A_24 : memref<80xi32, #tpu.memory_space<hbm>>) dst(%arg11 : memref<80xi32, #tpu.memory_space<vmem>>)
    %dma_wait3A_25 = arith.constant 0 : i32
    %dma_wait3A_26 = tpu.memref_slice %arg4[%dma_wait3A_25] : memref<320000xi32, #tpu.memory_space<hbm>> -> memref<80xi32, #tpu.memory_space<hbm>>
    %dma_wait3A_27 = arith.constant 0 : i32
    %dma_wait3A_28 = tpu.memref_slice %arg4[%dma_wait3A_27] : memref<320000xi32, #tpu.memory_space<hbm>> -> memref<80xi32, #tpu.memory_space<hbm>>
    tpu.wait_dma2 semaphore(%arg19 : memref<!tpu.dma_semaphore, #tpu.memory_space<semaphore_mem>>) src(%dma_wait3A_28 : memref<80xi32, #tpu.memory_space<hbm>>) dst(%arg15 : memref<80xi32, #tpu.memory_space<vmem>>)
    %dma_start3A_29 = arith.constant 0 : i32
    %dma_start3A_30 = arith.constant 0 : i32
    %dma_start3A_31 = tpu.memref_slice %arg2[%dma_start3A_29, %dma_start3A_30] : memref<10000x128xf32, #tpu.memory_space<hbm>> -> memref<10000x128xf32, #tpu.memory_space<hbm>>
    tpu.enqueue_indirect_dma source(%dma_start3A_31 : memref<10000x128xf32, #tpu.memory_space<hbm>>) target(%arg23 : memref<80x128xf32, #tpu.memory_space<vmem>>) offsets(%arg11 : memref<80xi32, #tpu.memory_space<vmem>>) semaphore(%arg27 : memref<!tpu.dma_semaphore, #tpu.memory_space<semaphore_mem>>)
    %dma_wait3A_32 = arith.constant 0 : i32
    %dma_wait3A_33 = tpu.memref_slice %arg3[%dma_wait3A_32] : memref<320000xi32, #tpu.memory_space<hbm>> -> memref<80xi32, #tpu.memory_space<hbm>>
    %dma_wait3A_34 = arith.constant 0 : i32
    %dma_wait3A_35 = tpu.memref_slice %arg3[%dma_wait3A_34] : memref<320000xi32, #tpu.memory_space<hbm>> -> memref<80xi32, #tpu.memory_space<hbm>>
    tpu.wait_dma2 semaphore(%arg20 : memref<!tpu.dma_semaphore, #tpu.memory_space<semaphore_mem>>) src(%dma_wait3A_35 : memref<80xi32, #tpu.memory_space<hbm>>) dst(%arg12 : memref<80xi32, #tpu.memory_space<vmem>>)
    %dma_wait3A_36 = arith.constant 0 : i32
    %dma_wait3A_37 = tpu.memref_slice %arg4[%dma_wait3A_36] : memref<320000xi32, #tpu.memory_space<hbm>> -> memref<80xi32, #tpu.memory_space<hbm>>
    %dma_wait3A_38 = arith.constant 0 : i32
    %dma_wait3A_39 = tpu.memref_slice %arg4[%dma_wait3A_38] : memref<320000xi32, #tpu.memory_space<hbm>> -> memref<80xi32, #tpu.memory_space<hbm>>
    tpu.wait_dma2 semaphore(%arg20 : memref<!tpu.dma_semaphore, #tpu.memory_space<semaphore_mem>>) src(%dma_wait3A_39 : memref<80xi32, #tpu.memory_space<hbm>>) dst(%arg16 : memref<80xi32, #tpu.memory_space<vmem>>)
    %dma_start3A_40 = arith.constant 0 : i32
    %dma_start3A_41 = arith.constant 0 : i32
    %dma_start3A_42 = tpu.memref_slice %arg2[%dma_start3A_40, %dma_start3A_41] : memref<10000x128xf32, #tpu.memory_space<hbm>> -> memref<10000x128xf32, #tpu.memory_space<hbm>>
    tpu.enqueue_indirect_dma source(%dma_start3A_42 : memref<10000x128xf32, #tpu.memory_space<hbm>>) target(%arg24 : memref<80x128xf32, #tpu.memory_space<vmem>>) offsets(%arg12 : memref<80xi32, #tpu.memory_space<vmem>>) semaphore(%arg28 : memref<!tpu.dma_semaphore, #tpu.memory_space<semaphore_mem>>)
    %scan3A = arith.constant 0 : i32
    %scan3A_43 = arith.constant 0 : i32
    %scan3A_44 = arith.constant 31 : i32
    %scan3A_45 = arith.addi %scan3A_43, %scan3A_44 : i32
    %scan3A_46 = arith.constant 1 : i32
    scf.for %scan3A_52 = %scan3A_43 to %scan3A_45 step %scan3A_46  : i32 {
      %mul3A_53 = arith.constant 4 : i32
      %mul3A_54 = arith.muli %mul3A_53, %scan3A_52 : i32
      %add3A_55 = arith.constant 0 : i32
      %add3A_56 = arith.addi %mul3A_54, %add3A_55 : i32
      %dma_wait3A_57 = arith.constant 0 : i32
      %dma_wait3A_58 = arith.constant 0 : i32
      %dma_wait3A_59 = tpu.memref_slice %arg2[%dma_wait3A_57, %dma_wait3A_58] : memref<10000x128xf32, #tpu.memory_space<hbm>> -> memref<10000x128xf32, #tpu.memory_space<hbm>>
      tpu.wait_indirect_dma semaphore(%arg27 : memref<!tpu.dma_semaphore, #tpu.memory_space<semaphore_mem>>) src(%dma_wait3A_59 : memref<10000x128xf32, #tpu.memory_space<hbm>>) dst(%arg23 : memref<80x128xf32, #tpu.memory_space<vmem>>)
      %add3A_60 = arith.constant 2 : i32
      %add3A_61 = arith.addi %add3A_56, %add3A_60 : i32
      %le3A = arith.constant 124 : i32
      %le3A_62 = arith.cmpi sle, %add3A_61, %le3A : i32
      %convert_element_type3A = arith.extui %le3A_62 : i1 to i32
      %cond3A = arith.constant 0 : i32
      %cond3A_63 = arith.cmpi ne, %convert_element_type3A, %cond3A : i32
      scf.if %cond3A_63 {
        %dma_wait3A_128 = arith.constant 0 : i32
        %dma_wait3A_129 = tpu.memref_slice %arg3[%dma_wait3A_128] : memref<320000xi32, #tpu.memory_space<hbm>> -> memref<80xi32, #tpu.memory_space<hbm>>
        %dma_wait3A_130 = arith.constant 0 : i32
        %dma_wait3A_131 = tpu.memref_slice %arg3[%dma_wait3A_130] : memref<320000xi32, #tpu.memory_space<hbm>> -> memref<80xi32, #tpu.memory_space<hbm>>
        tpu.wait_dma2 semaphore(%arg21 : memref<!tpu.dma_semaphore, #tpu.memory_space<semaphore_mem>>) src(%dma_wait3A_131 : memref<80xi32, #tpu.memory_space<hbm>>) dst(%arg13 : memref<80xi32, #tpu.memory_space<vmem>>)
        %dma_wait3A_132 = arith.constant 0 : i32
        %dma_wait3A_133 = tpu.memref_slice %arg4[%dma_wait3A_132] : memref<320000xi32, #tpu.memory_space<hbm>> -> memref<80xi32, #tpu.memory_space<hbm>>
        %dma_wait3A_134 = arith.constant 0 : i32
        %dma_wait3A_135 = tpu.memref_slice %arg4[%dma_wait3A_134] : memref<320000xi32, #tpu.memory_space<hbm>> -> memref<80xi32, #tpu.memory_space<hbm>>
        tpu.wait_dma2 semaphore(%arg21 : memref<!tpu.dma_semaphore, #tpu.memory_space<semaphore_mem>>) src(%dma_wait3A_135 : memref<80xi32, #tpu.memory_space<hbm>>) dst(%arg17 : memref<80xi32, #tpu.memory_space<vmem>>)
        %dma_start3A_136 = arith.constant 0 : i32
        %dma_start3A_137 = arith.constant 0 : i32
        %dma_start3A_138 = tpu.memref_slice %arg2[%dma_start3A_136, %dma_start3A_137] : memref<10000x128xf32, #tpu.memory_space<hbm>> -> memref<10000x128xf32, #tpu.memory_space<hbm>>
        tpu.enqueue_indirect_dma source(%dma_start3A_138 : memref<10000x128xf32, #tpu.memory_space<hbm>>) target(%arg25 : memref<80x128xf32, #tpu.memory_space<vmem>>) offsets(%arg13 : memref<80xi32, #tpu.memory_space<vmem>>) semaphore(%arg29 : memref<!tpu.dma_semaphore, #tpu.memory_space<semaphore_mem>>)
      } else {
      }
      %add3A_64 = arith.constant 3 : i32
      %add3A_65 = arith.addi %add3A_56, %add3A_64 : i32
      %le3A_66 = arith.constant 124 : i32
      %le3A_67 = arith.cmpi sle, %add3A_65, %le3A_66 : i32
      %convert_element_type3A_68 = arith.extui %le3A_67 : i1 to i32
      %cond3A_69 = arith.constant 0 : i32
      %cond3A_70 = arith.cmpi ne, %convert_element_type3A_68, %cond3A_69 : i32
      scf.if %cond3A_70 {
        %add3A_128 = arith.constant 3 : i32
        %add3A_129 = arith.addi %add3A_56, %add3A_128 : i32
        %mul3A_130 = arith.constant 80 : i32
        %mul3A_131 = arith.muli %add3A_129, %mul3A_130 : i32
        %add3A_132 = arith.addi %mul3A_4, %mul3A_131 : i32
        %dma_start3A_133 = tpu.memref_slice %arg3[%add3A_132] : memref<320000xi32, #tpu.memory_space<hbm>> -> memref<80xi32, #tpu.memory_space<hbm>>
        %dma_start3A_134 = tpu.memref_slice %arg3[%add3A_132] : memref<320000xi32, #tpu.memory_space<hbm>> -> memref<80xi32, #tpu.memory_space<hbm>>
        tpu.enqueue_dma source(%dma_start3A_134 : memref<80xi32, #tpu.memory_space<hbm>>) target(%arg14 : memref<80xi32, #tpu.memory_space<vmem>>) target_semaphore(%arg22 : memref<!tpu.dma_semaphore, #tpu.memory_space<semaphore_mem>>)
        %dma_start3A_135 = tpu.memref_slice %arg4[%add3A_132] : memref<320000xi32, #tpu.memory_space<hbm>> -> memref<80xi32, #tpu.memory_space<hbm>>
        %dma_start3A_136 = tpu.memref_slice %arg4[%add3A_132] : memref<320000xi32, #tpu.memory_space<hbm>> -> memref<80xi32, #tpu.memory_space<hbm>>
        tpu.enqueue_dma source(%dma_start3A_136 : memref<80xi32, #tpu.memory_space<hbm>>) target(%arg18 : memref<80xi32, #tpu.memory_space<vmem>>) target_semaphore(%arg22 : memref<!tpu.dma_semaphore, #tpu.memory_space<semaphore_mem>>)
      } else {
      }
      "tpu.region"() ({
        %run_scoped3A = tpu.sem_alloc : memref<!tpu.dma_semaphore, #tpu.memory_space<semaphore_mem>>
        %dma_start3A_128 = arith.constant 0 : i32
        %dma_start3A_129 = arith.constant 0 : i32
        %dma_start3A_130 = tpu.memref_slice %arg10[%dma_start3A_128, %dma_start3A_129] : memref<10240x128xf32, #tpu.memory_space<vmem_shared>> -> memref<10240x128xf32, #tpu.memory_space<vmem_shared>>
        tpu.enqueue_indirect_dma source(%arg23 : memref<80x128xf32, #tpu.memory_space<vmem>>) target(%dma_start3A_130 : memref<10240x128xf32, #tpu.memory_space<vmem_shared>>) offsets(%arg15 : memref<80xi32, #tpu.memory_space<vmem>>) semaphore(%run_scoped3A : memref<!tpu.dma_semaphore, #tpu.memory_space<semaphore_mem>>) {add = true}
        %dma_wait3A_131 = arith.constant 0 : i32
        %dma_wait3A_132 = arith.constant 0 : i32
        %dma_wait3A_133 = tpu.memref_slice %arg10[%dma_wait3A_131, %dma_wait3A_132] : memref<10240x128xf32, #tpu.memory_space<vmem_shared>> -> memref<10240x128xf32, #tpu.memory_space<vmem_shared>>
        tpu.wait_indirect_dma semaphore(%run_scoped3A : memref<!tpu.dma_semaphore, #tpu.memory_space<semaphore_mem>>) src(%arg23 : memref<80x128xf32, #tpu.memory_space<vmem>>) dst(%dma_wait3A_133 : memref<10240x128xf32, #tpu.memory_space<vmem_shared>>)
        tpu.yield
      }) : () -> ()
      "tpu.region"() ({
        %run_scoped3A = tpu.sem_alloc : memref<!tpu.dma_semaphore, #tpu.memory_space<semaphore_mem>>
        %dma_start3A_128 = arith.constant 0 : i32
        %dma_start3A_129 = tpu.memref_slice %arg31[%dma_start3A_128] : memref<10240xf32, #tpu.memory_space<vmem_shared>> -> memref<10240xf32, #tpu.memory_space<vmem_shared>>
        tpu.enqueue_indirect_dma source(%arg32 : memref<80xf32, #tpu.memory_space<vmem>>) target(%dma_start3A_129 : memref<10240xf32, #tpu.memory_space<vmem_shared>>) offsets(%arg15 : memref<80xi32, #tpu.memory_space<vmem>>) semaphore(%run_scoped3A : memref<!tpu.dma_semaphore, #tpu.memory_space<semaphore_mem>>) {add = true}
        %dma_wait3A_130 = arith.constant 0 : i32
        %dma_wait3A_131 = tpu.memref_slice %arg31[%dma_wait3A_130] : memref<10240xf32, #tpu.memory_space<vmem_shared>> -> memref<10240xf32, #tpu.memory_space<vmem_shared>>
        tpu.wait_indirect_dma semaphore(%run_scoped3A : memref<!tpu.dma_semaphore, #tpu.memory_space<semaphore_mem>>) src(%arg32 : memref<80xf32, #tpu.memory_space<vmem>>) dst(%dma_wait3A_131 : memref<10240xf32, #tpu.memory_space<vmem_shared>>)
        tpu.yield
      }) : () -> ()
      %add3A_71 = arith.constant 1 : i32
      %add3A_72 = arith.addi %mul3A_54, %add3A_71 : i32
      %dma_wait3A_73 = arith.constant 0 : i32
      %dma_wait3A_74 = arith.constant 0 : i32
      %dma_wait3A_75 = tpu.memref_slice %arg2[%dma_wait3A_73, %dma_wait3A_74] : memref<10000x128xf32, #tpu.memory_space<hbm>> -> memref<10000x128xf32, #tpu.memory_space<hbm>>
      tpu.wait_indirect_dma semaphore(%arg28 : memref<!tpu.dma_semaphore, #tpu.memory_space<semaphore_mem>>) src(%dma_wait3A_75 : memref<10000x128xf32, #tpu.memory_space<hbm>>) dst(%arg24 : memref<80x128xf32, #tpu.memory_space<vmem>>)
      %add3A_76 = arith.constant 2 : i32
      %add3A_77 = arith.addi %add3A_72, %add3A_76 : i32
      %le3A_78 = arith.constant 124 : i32
      %le3A_79 = arith.cmpi sle, %add3A_77, %le3A_78 : i32
      %convert_element_type3A_80 = arith.extui %le3A_79 : i1 to i32
      %cond3A_81 = arith.constant 0 : i32
      %cond3A_82 = arith.cmpi ne, %convert_element_type3A_80, %cond3A_81 : i32
      scf.if %cond3A_82 {
        %dma_wait3A_128 = arith.constant 0 : i32
        %dma_wait3A_129 = tpu.memref_slice %arg3[%dma_wait3A_128] : memref<320000xi32, #tpu.memory_space<hbm>> -> memref<80xi32, #tpu.memory_space<hbm>>
        %dma_wait3A_130 = arith.constant 0 : i32
        %dma_wait3A_131 = tpu.memref_slice %arg3[%dma_wait3A_130] : memref<320000xi32, #tpu.memory_space<hbm>> -> memref<80xi32, #tpu.memory_space<hbm>>
        tpu.wait_dma2 semaphore(%arg22 : memref<!tpu.dma_semaphore, #tpu.memory_space<semaphore_mem>>) src(%dma_wait3A_131 : memref<80xi32, #tpu.memory_space<hbm>>) dst(%arg14 : memref<80xi32, #tpu.memory_space<vmem>>)
        %dma_wait3A_132 = arith.constant 0 : i32
        %dma_wait3A_133 = tpu.memref_slice %arg4[%dma_wait3A_132] : memref<320000xi32, #tpu.memory_space<hbm>> -> memref<80xi32, #tpu.memory_space<hbm>>
        %dma_wait3A_134 = arith.constant 0 : i32
        %dma_wait3A_135 = tpu.memref_slice %arg4[%dma_wait3A_134] : memref<320000xi32, #tpu.memory_space<hbm>> -> memref<80xi32, #tpu.memory_space<hbm>>
        tpu.wait_dma2 semaphore(%arg22 : memref<!tpu.dma_semaphore, #tpu.memory_space<semaphore_mem>>) src(%dma_wait3A_135 : memref<80xi32, #tpu.memory_space<hbm>>) dst(%arg18 : memref<80xi32, #tpu.memory_space<vmem>>)
        %dma_start3A_136 = arith.constant 0 : i32
        %dma_start3A_137 = arith.constant 0 : i32
        %dma_start3A_138 = tpu.memref_slice %arg2[%dma_start3A_136, %dma_start3A_137] : memref<10000x128xf32, #tpu.memory_space<hbm>> -> memref<10000x128xf32, #tpu.memory_space<hbm>>
        tpu.enqueue_indirect_dma source(%dma_start3A_138 : memref<10000x128xf32, #tpu.memory_space<hbm>>) target(%arg26 : memref<80x128xf32, #tpu.memory_space<vmem>>) offsets(%arg14 : memref<80xi32, #tpu.memory_space<vmem>>) semaphore(%arg30 : memref<!tpu.dma_semaphore, #tpu.memory_space<semaphore_mem>>)
      } else {
      }
      %add3A_83 = arith.constant 3 : i32
      %add3A_84 = arith.addi %add3A_72, %add3A_83 : i32
      %le3A_85 = arith.constant 124 : i32
      %le3A_86 = arith.cmpi sle, %add3A_84, %le3A_85 : i32
      %convert_element_type3A_87 = arith.extui %le3A_86 : i1 to i32
      %cond3A_88 = arith.constant 0 : i32
      %cond3A_89 = arith.cmpi ne, %convert_element_type3A_87, %cond3A_88 : i32
      scf.if %cond3A_89 {
        %add3A_128 = arith.constant 3 : i32
        %add3A_129 = arith.addi %add3A_72, %add3A_128 : i32
        %mul3A_130 = arith.constant 80 : i32
        %mul3A_131 = arith.muli %add3A_129, %mul3A_130 : i32
        %add3A_132 = arith.addi %mul3A_4, %mul3A_131 : i32
        %dma_start3A_133 = tpu.memref_slice %arg3[%add3A_132] : memref<320000xi32, #tpu.memory_space<hbm>> -> memref<80xi32, #tpu.memory_space<hbm>>
        %dma_start3A_134 = tpu.memref_slice %arg3[%add3A_132] : memref<320000xi32, #tpu.memory_space<hbm>> -> memref<80xi32, #tpu.memory_space<hbm>>
        tpu.enqueue_dma source(%dma_start3A_134 : memref<80xi32, #tpu.memory_space<hbm>>) target(%arg11 : memref<80xi32, #tpu.memory_space<vmem>>) target_semaphore(%arg19 : memref<!tpu.dma_semaphore, #tpu.memory_space<semaphore_mem>>)
        %dma_start3A_135 = tpu.memref_slice %arg4[%add3A_132] : memref<320000xi32, #tpu.memory_space<hbm>> -> memref<80xi32, #tpu.memory_space<hbm>>
        %dma_start3A_136 = tpu.memref_slice %arg4[%add3A_132] : memref<320000xi32, #tpu.memory_space<hbm>> -> memref<80xi32, #tpu.memory_space<hbm>>
        tpu.enqueue_dma source(%dma_start3A_136 : memref<80xi32, #tpu.memory_space<hbm>>) target(%arg15 : memref<80xi32, #tpu.memory_space<vmem>>) target_semaphore(%arg19 : memref<!tpu.dma_semaphore, #tpu.memory_space<semaphore_mem>>)
      } else {
      }
      "tpu.region"() ({
        %run_scoped3A = tpu.sem_alloc : memref<!tpu.dma_semaphore, #tpu.memory_space<semaphore_mem>>
        %dma_start3A_128 = arith.constant 0 : i32
        %dma_start3A_129 = arith.constant 0 : i32
        %dma_start3A_130 = tpu.memref_slice %arg10[%dma_start3A_128, %dma_start3A_129] : memref<10240x128xf32, #tpu.memory_space<vmem_shared>> -> memref<10240x128xf32, #tpu.memory_space<vmem_shared>>
        tpu.enqueue_indirect_dma source(%arg24 : memref<80x128xf32, #tpu.memory_space<vmem>>) target(%dma_start3A_130 : memref<10240x128xf32, #tpu.memory_space<vmem_shared>>) offsets(%arg16 : memref<80xi32, #tpu.memory_space<vmem>>) semaphore(%run_scoped3A : memref<!tpu.dma_semaphore, #tpu.memory_space<semaphore_mem>>) {add = true}
        %dma_wait3A_131 = arith.constant 0 : i32
        %dma_wait3A_132 = arith.constant 0 : i32
        %dma_wait3A_133 = tpu.memref_slice %arg10[%dma_wait3A_131, %dma_wait3A_132] : memref<10240x128xf32, #tpu.memory_space<vmem_shared>> -> memref<10240x128xf32, #tpu.memory_space<vmem_shared>>
        tpu.wait_indirect_dma semaphore(%run_scoped3A : memref<!tpu.dma_semaphore, #tpu.memory_space<semaphore_mem>>) src(%arg24 : memref<80x128xf32, #tpu.memory_space<vmem>>) dst(%dma_wait3A_133 : memref<10240x128xf32, #tpu.memory_space<vmem_shared>>)
        tpu.yield
      }) : () -> ()
      "tpu.region"() ({
        %run_scoped3A = tpu.sem_alloc : memref<!tpu.dma_semaphore, #tpu.memory_space<semaphore_mem>>
        %dma_start3A_128 = arith.constant 0 : i32
        %dma_start3A_129 = tpu.memref_slice %arg31[%dma_start3A_128] : memref<10240xf32, #tpu.memory_space<vmem_shared>> -> memref<10240xf32, #tpu.memory_space<vmem_shared>>
        tpu.enqueue_indirect_dma source(%arg32 : memref<80xf32, #tpu.memory_space<vmem>>) target(%dma_start3A_129 : memref<10240xf32, #tpu.memory_space<vmem_shared>>) offsets(%arg16 : memref<80xi32, #tpu.memory_space<vmem>>) semaphore(%run_scoped3A : memref<!tpu.dma_semaphore, #tpu.memory_space<semaphore_mem>>) {add = true}
        %dma_wait3A_130 = arith.constant 0 : i32
        %dma_wait3A_131 = tpu.memref_slice %arg31[%dma_wait3A_130] : memref<10240xf32, #tpu.memory_space<vmem_shared>> -> memref<10240xf32, #tpu.memory_space<vmem_shared>>
        tpu.wait_indirect_dma semaphore(%run_scoped3A : memref<!tpu.dma_semaphore, #tpu.memory_space<semaphore_mem>>) src(%arg32 : memref<80xf32, #tpu.memory_space<vmem>>) dst(%dma_wait3A_131 : memref<10240xf32, #tpu.memory_space<vmem_shared>>)
        tpu.yield
      }) : () -> ()
      %add3A_90 = arith.constant 2 : i32
      %add3A_91 = arith.addi %mul3A_54, %add3A_90 : i32
      %dma_wait3A_92 = arith.constant 0 : i32
      %dma_wait3A_93 = arith.constant 0 : i32
      %dma_wait3A_94 = tpu.memref_slice %arg2[%dma_wait3A_92, %dma_wait3A_93] : memref<10000x128xf32, #tpu.memory_space<hbm>> -> memref<10000x128xf32, #tpu.memory_space<hbm>>
      tpu.wait_indirect_dma semaphore(%arg29 : memref<!tpu.dma_semaphore, #tpu.memory_space<semaphore_mem>>) src(%dma_wait3A_94 : memref<10000x128xf32, #tpu.memory_space<hbm>>) dst(%arg25 : memref<80x128xf32, #tpu.memory_space<vmem>>)
      %add3A_95 = arith.constant 2 : i32
      %add3A_96 = arith.addi %add3A_91, %add3A_95 : i32
      %le3A_97 = arith.constant 124 : i32
      %le3A_98 = arith.cmpi sle, %add3A_96, %le3A_97 : i32
      %convert_element_type3A_99 = arith.extui %le3A_98 : i1 to i32
      %cond3A_100 = arith.constant 0 : i32
      %cond3A_101 = arith.cmpi ne, %convert_element_type3A_99, %cond3A_100 : i32
      scf.if %cond3A_101 {
        %dma_wait3A_128 = arith.constant 0 : i32
        %dma_wait3A_129 = tpu.memref_slice %arg3[%dma_wait3A_128] : memref<320000xi32, #tpu.memory_space<hbm>> -> memref<80xi32, #tpu.memory_space<hbm>>
        %dma_wait3A_130 = arith.constant 0 : i32
        %dma_wait3A_131 = tpu.memref_slice %arg3[%dma_wait3A_130] : memref<320000xi32, #tpu.memory_space<hbm>> -> memref<80xi32, #tpu.memory_space<hbm>>
        tpu.wait_dma2 semaphore(%arg19 : memref<!tpu.dma_semaphore, #tpu.memory_space<semaphore_mem>>) src(%dma_wait3A_131 : memref<80xi32, #tpu.memory_space<hbm>>) dst(%arg11 : memref<80xi32, #tpu.memory_space<vmem>>)
        %dma_wait3A_132 = arith.constant 0 : i32
        %dma_wait3A_133 = tpu.memref_slice %arg4[%dma_wait3A_132] : memref<320000xi32, #tpu.memory_space<hbm>> -> memref<80xi32, #tpu.memory_space<hbm>>
        %dma_wait3A_134 = arith.constant 0 : i32
        %dma_wait3A_135 = tpu.memref_slice %arg4[%dma_wait3A_134] : memref<320000xi32, #tpu.memory_space<hbm>> -> memref<80xi32, #tpu.memory_space<hbm>>
        tpu.wait_dma2 semaphore(%arg19 : memref<!tpu.dma_semaphore, #tpu.memory_space<semaphore_mem>>) src(%dma_wait3A_135 : memref<80xi32, #tpu.memory_space<hbm>>) dst(%arg15 : memref<80xi32, #tpu.memory_space<vmem>>)
        %dma_start3A_136 = arith.constant 0 : i32
        %dma_start3A_137 = arith.constant 0 : i32
        %dma_start3A_138 = tpu.memref_slice %arg2[%dma_start3A_136, %dma_start3A_137] : memref<10000x128xf32, #tpu.memory_space<hbm>> -> memref<10000x128xf32, #tpu.memory_space<hbm>>
        tpu.enqueue_indirect_dma source(%dma_start3A_138 : memref<10000x128xf32, #tpu.memory_space<hbm>>) target(%arg23 : memref<80x128xf32, #tpu.memory_space<vmem>>) offsets(%arg11 : memref<80xi32, #tpu.memory_space<vmem>>) semaphore(%arg27 : memref<!tpu.dma_semaphore, #tpu.memory_space<semaphore_mem>>)
      } else {
      }
      %add3A_102 = arith.constant 3 : i32
      %add3A_103 = arith.addi %add3A_91, %add3A_102 : i32
      %le3A_104 = arith.constant 124 : i32
      %le3A_105 = arith.cmpi sle, %add3A_103, %le3A_104 : i32
      %convert_element_type3A_106 = arith.extui %le3A_105 : i1 to i32
      %cond3A_107 = arith.constant 0 : i32
      %cond3A_108 = arith.cmpi ne, %convert_element_type3A_106, %cond3A_107 : i32
      scf.if %cond3A_108 {
        %add3A_128 = arith.constant 3 : i32
        %add3A_129 = arith.addi %add3A_91, %add3A_128 : i32
        %mul3A_130 = arith.constant 80 : i32
        %mul3A_131 = arith.muli %add3A_129, %mul3A_130 : i32
        %add3A_132 = arith.addi %mul3A_4, %mul3A_131 : i32
        %dma_start3A_133 = tpu.memref_slice %arg3[%add3A_132] : memref<320000xi32, #tpu.memory_space<hbm>> -> memref<80xi32, #tpu.memory_space<hbm>>
        %dma_start3A_134 = tpu.memref_slice %arg3[%add3A_132] : memref<320000xi32, #tpu.memory_space<hbm>> -> memref<80xi32, #tpu.memory_space<hbm>>
        tpu.enqueue_dma source(%dma_start3A_134 : memref<80xi32, #tpu.memory_space<hbm>>) target(%arg12 : memref<80xi32, #tpu.memory_space<vmem>>) target_semaphore(%arg20 : memref<!tpu.dma_semaphore, #tpu.memory_space<semaphore_mem>>)
        %dma_start3A_135 = tpu.memref_slice %arg4[%add3A_132] : memref<320000xi32, #tpu.memory_space<hbm>> -> memref<80xi32, #tpu.memory_space<hbm>>
        %dma_start3A_136 = tpu.memref_slice %arg4[%add3A_132] : memref<320000xi32, #tpu.memory_space<hbm>> -> memref<80xi32, #tpu.memory_space<hbm>>
        tpu.enqueue_dma source(%dma_start3A_136 : memref<80xi32, #tpu.memory_space<hbm>>) target(%arg16 : memref<80xi32, #tpu.memory_space<vmem>>) target_semaphore(%arg20 : memref<!tpu.dma_semaphore, #tpu.memory_space<semaphore_mem>>)
      } else {
      }
      "tpu.region"() ({
        %run_scoped3A = tpu.sem_alloc : memref<!tpu.dma_semaphore, #tpu.memory_space<semaphore_mem>>
        %dma_start3A_128 = arith.constant 0 : i32
        %dma_start3A_129 = arith.constant 0 : i32
        %dma_start3A_130 = tpu.memref_slice %arg10[%dma_start3A_128, %dma_start3A_129] : memref<10240x128xf32, #tpu.memory_space<vmem_shared>> -> memref<10240x128xf32, #tpu.memory_space<vmem_shared>>
        tpu.enqueue_indirect_dma source(%arg25 : memref<80x128xf32, #tpu.memory_space<vmem>>) target(%dma_start3A_130 : memref<10240x128xf32, #tpu.memory_space<vmem_shared>>) offsets(%arg17 : memref<80xi32, #tpu.memory_space<vmem>>) semaphore(%run_scoped3A : memref<!tpu.dma_semaphore, #tpu.memory_space<semaphore_mem>>) {add = true}
        %dma_wait3A_131 = arith.constant 0 : i32
        %dma_wait3A_132 = arith.constant 0 : i32
        %dma_wait3A_133 = tpu.memref_slice %arg10[%dma_wait3A_131, %dma_wait3A_132] : memref<10240x128xf32, #tpu.memory_space<vmem_shared>> -> memref<10240x128xf32, #tpu.memory_space<vmem_shared>>
        tpu.wait_indirect_dma semaphore(%run_scoped3A : memref<!tpu.dma_semaphore, #tpu.memory_space<semaphore_mem>>) src(%arg25 : memref<80x128xf32, #tpu.memory_space<vmem>>) dst(%dma_wait3A_133 : memref<10240x128xf32, #tpu.memory_space<vmem_shared>>)
        tpu.yield
      }) : () -> ()
      "tpu.region"() ({
        %run_scoped3A = tpu.sem_alloc : memref<!tpu.dma_semaphore, #tpu.memory_space<semaphore_mem>>
        %dma_start3A_128 = arith.constant 0 : i32
        %dma_start3A_129 = tpu.memref_slice %arg31[%dma_start3A_128] : memref<10240xf32, #tpu.memory_space<vmem_shared>> -> memref<10240xf32, #tpu.memory_space<vmem_shared>>
        tpu.enqueue_indirect_dma source(%arg32 : memref<80xf32, #tpu.memory_space<vmem>>) target(%dma_start3A_129 : memref<10240xf32, #tpu.memory_space<vmem_shared>>) offsets(%arg17 : memref<80xi32, #tpu.memory_space<vmem>>) semaphore(%run_scoped3A : memref<!tpu.dma_semaphore, #tpu.memory_space<semaphore_mem>>) {add = true}
        %dma_wait3A_130 = arith.constant 0 : i32
        %dma_wait3A_131 = tpu.memref_slice %arg31[%dma_wait3A_130] : memref<10240xf32, #tpu.memory_space<vmem_shared>> -> memref<10240xf32, #tpu.memory_space<vmem_shared>>
        tpu.wait_indirect_dma semaphore(%run_scoped3A : memref<!tpu.dma_semaphore, #tpu.memory_space<semaphore_mem>>) src(%arg32 : memref<80xf32, #tpu.memory_space<vmem>>) dst(%dma_wait3A_131 : memref<10240xf32, #tpu.memory_space<vmem_shared>>)
        tpu.yield
      }) : () -> ()
      %add3A_109 = arith.constant 3 : i32
      %add3A_110 = arith.addi %mul3A_54, %add3A_109 : i32
      %dma_wait3A_111 = arith.constant 0 : i32
      %dma_wait3A_112 = arith.constant 0 : i32
      %dma_wait3A_113 = tpu.memref_slice %arg2[%dma_wait3A_111, %dma_wait3A_112] : memref<10000x128xf32, #tpu.memory_space<hbm>> -> memref<10000x128xf32, #tpu.memory_space<hbm>>
      tpu.wait_indirect_dma semaphore(%arg30 : memref<!tpu.dma_semaphore, #tpu.memory_space<semaphore_mem>>) src(%dma_wait3A_113 : memref<10000x128xf32, #tpu.memory_space<hbm>>) dst(%arg26 : memref<80x128xf32, #tpu.memory_space<vmem>>)
      %add3A_114 = arith.constant 2 : i32
      %add3A_115 = arith.addi %add3A_110, %add3A_114 : i32
      %le3A_116 = arith.constant 124 : i32
      %le3A_117 = arith.cmpi sle, %add3A_115, %le3A_116 : i32
      %convert_element_type3A_118 = arith.extui %le3A_117 : i1 to i32
      %cond3A_119 = arith.constant 0 : i32
      %cond3A_120 = arith.cmpi ne, %convert_element_type3A_118, %cond3A_119 : i32
      scf.if %cond3A_120 {
        %dma_wait3A_128 = arith.constant 0 : i32
        %dma_wait3A_129 = tpu.memref_slice %arg3[%dma_wait3A_128] : memref<320000xi32, #tpu.memory_space<hbm>> -> memref<80xi32, #tpu.memory_space<hbm>>
        %dma_wait3A_130 = arith.constant 0 : i32
        %dma_wait3A_131 = tpu.memref_slice %arg3[%dma_wait3A_130] : memref<320000xi32, #tpu.memory_space<hbm>> -> memref<80xi32, #tpu.memory_space<hbm>>
        tpu.wait_dma2 semaphore(%arg20 : memref<!tpu.dma_semaphore, #tpu.memory_space<semaphore_mem>>) src(%dma_wait3A_131 : memref<80xi32, #tpu.memory_space<hbm>>) dst(%arg12 : memref<80xi32, #tpu.memory_space<vmem>>)
        %dma_wait3A_132 = arith.constant 0 : i32
        %dma_wait3A_133 = tpu.memref_slice %arg4[%dma_wait3A_132] : memref<320000xi32, #tpu.memory_space<hbm>> -> memref<80xi32, #tpu.memory_space<hbm>>
        %dma_wait3A_134 = arith.constant 0 : i32
        %dma_wait3A_135 = tpu.memref_slice %arg4[%dma_wait3A_134] : memref<320000xi32, #tpu.memory_space<hbm>> -> memref<80xi32, #tpu.memory_space<hbm>>
        tpu.wait_dma2 semaphore(%arg20 : memref<!tpu.dma_semaphore, #tpu.memory_space<semaphore_mem>>) src(%dma_wait3A_135 : memref<80xi32, #tpu.memory_space<hbm>>) dst(%arg16 : memref<80xi32, #tpu.memory_space<vmem>>)
        %dma_start3A_136 = arith.constant 0 : i32
        %dma_start3A_137 = arith.constant 0 : i32
        %dma_start3A_138 = tpu.memref_slice %arg2[%dma_start3A_136, %dma_start3A_137] : memref<10000x128xf32, #tpu.memory_space<hbm>> -> memref<10000x128xf32, #tpu.memory_space<hbm>>
        tpu.enqueue_indirect_dma source(%dma_start3A_138 : memref<10000x128xf32, #tpu.memory_space<hbm>>) target(%arg24 : memref<80x128xf32, #tpu.memory_space<vmem>>) offsets(%arg12 : memref<80xi32, #tpu.memory_space<vmem>>) semaphore(%arg28 : memref<!tpu.dma_semaphore, #tpu.memory_space<semaphore_mem>>)
      } else {
      }
      %add3A_121 = arith.constant 3 : i32
      %add3A_122 = arith.addi %add3A_110, %add3A_121 : i32
      %le3A_123 = arith.constant 124 : i32
      %le3A_124 = arith.cmpi sle, %add3A_122, %le3A_123 : i32
      %convert_element_type3A_125 = arith.extui %le3A_124 : i1 to i32
      %cond3A_126 = arith.constant 0 : i32
      %cond3A_127 = arith.cmpi ne, %convert_element_type3A_125, %cond3A_126 : i32
      scf.if %cond3A_127 {
        %add3A_128 = arith.constant 3 : i32
        %add3A_129 = arith.addi %add3A_110, %add3A_128 : i32
        %mul3A_130 = arith.constant 80 : i32
        %mul3A_131 = arith.muli %add3A_129, %mul3A_130 : i32
        %add3A_132 = arith.addi %mul3A_4, %mul3A_131 : i32
        %dma_start3A_133 = tpu.memref_slice %arg3[%add3A_132] : memref<320000xi32, #tpu.memory_space<hbm>> -> memref<80xi32, #tpu.memory_space<hbm>>
        %dma_start3A_134 = tpu.memref_slice %arg3[%add3A_132] : memref<320000xi32, #tpu.memory_space<hbm>> -> memref<80xi32, #tpu.memory_space<hbm>>
        tpu.enqueue_dma source(%dma_start3A_134 : memref<80xi32, #tpu.memory_space<hbm>>) target(%arg13 : memref<80xi32, #tpu.memory_space<vmem>>) target_semaphore(%arg21 : memref<!tpu.dma_semaphore, #tpu.memory_space<semaphore_mem>>)
        %dma_start3A_135 = tpu.memref_slice %arg4[%add3A_132] : memref<320000xi32, #tpu.memory_space<hbm>> -> memref<80xi32, #tpu.memory_space<hbm>>
        %dma_start3A_136 = tpu.memref_slice %arg4[%add3A_132] : memref<320000xi32, #tpu.memory_space<hbm>> -> memref<80xi32, #tpu.memory_space<hbm>>
        tpu.enqueue_dma source(%dma_start3A_136 : memref<80xi32, #tpu.memory_space<hbm>>) target(%arg17 : memref<80xi32, #tpu.memory_space<vmem>>) target_semaphore(%arg21 : memref<!tpu.dma_semaphore, #tpu.memory_space<semaphore_mem>>)
      } else {
      }
      "tpu.region"() ({
        %run_scoped3A = tpu.sem_alloc : memref<!tpu.dma_semaphore, #tpu.memory_space<semaphore_mem>>
        %dma_start3A_128 = arith.constant 0 : i32
        %dma_start3A_129 = arith.constant 0 : i32
        %dma_start3A_130 = tpu.memref_slice %arg10[%dma_start3A_128, %dma_start3A_129] : memref<10240x128xf32, #tpu.memory_space<vmem_shared>> -> memref<10240x128xf32, #tpu.memory_space<vmem_shared>>
        tpu.enqueue_indirect_dma source(%arg26 : memref<80x128xf32, #tpu.memory_space<vmem>>) target(%dma_start3A_130 : memref<10240x128xf32, #tpu.memory_space<vmem_shared>>) offsets(%arg18 : memref<80xi32, #tpu.memory_space<vmem>>) semaphore(%run_scoped3A : memref<!tpu.dma_semaphore, #tpu.memory_space<semaphore_mem>>) {add = true}
        %dma_wait3A_131 = arith.constant 0 : i32
        %dma_wait3A_132 = arith.constant 0 : i32
        %dma_wait3A_133 = tpu.memref_slice %arg10[%dma_wait3A_131, %dma_wait3A_132] : memref<10240x128xf32, #tpu.memory_space<vmem_shared>> -> memref<10240x128xf32, #tpu.memory_space<vmem_shared>>
        tpu.wait_indirect_dma semaphore(%run_scoped3A : memref<!tpu.dma_semaphore, #tpu.memory_space<semaphore_mem>>) src(%arg26 : memref<80x128xf32, #tpu.memory_space<vmem>>) dst(%dma_wait3A_133 : memref<10240x128xf32, #tpu.memory_space<vmem_shared>>)
        tpu.yield
      }) : () -> ()
      "tpu.region"() ({
        %run_scoped3A = tpu.sem_alloc : memref<!tpu.dma_semaphore, #tpu.memory_space<semaphore_mem>>
        %dma_start3A_128 = arith.constant 0 : i32
        %dma_start3A_129 = tpu.memref_slice %arg31[%dma_start3A_128] : memref<10240xf32, #tpu.memory_space<vmem_shared>> -> memref<10240xf32, #tpu.memory_space<vmem_shared>>
        tpu.enqueue_indirect_dma source(%arg32 : memref<80xf32, #tpu.memory_space<vmem>>) target(%dma_start3A_129 : memref<10240xf32, #tpu.memory_space<vmem_shared>>) offsets(%arg18 : memref<80xi32, #tpu.memory_space<vmem>>) semaphore(%run_scoped3A : memref<!tpu.dma_semaphore, #tpu.memory_space<semaphore_mem>>) {add = true}
        %dma_wait3A_130 = arith.constant 0 : i32
        %dma_wait3A_131 = tpu.memref_slice %arg31[%dma_wait3A_130] : memref<10240xf32, #tpu.memory_space<vmem_shared>> -> memref<10240xf32, #tpu.memory_space<vmem_shared>>
        tpu.wait_indirect_dma semaphore(%run_scoped3A : memref<!tpu.dma_semaphore, #tpu.memory_space<semaphore_mem>>) src(%arg32 : memref<80xf32, #tpu.memory_space<vmem>>) dst(%dma_wait3A_131 : memref<10240xf32, #tpu.memory_space<vmem_shared>>)
        tpu.yield
      }) : () -> ()
    }
    %scan3A_47 = arith.constant 31 : i32
    %dma_wait3A_48 = arith.constant 0 : i32
    %dma_wait3A_49 = arith.constant 0 : i32
    %dma_wait3A_50 = tpu.memref_slice %arg2[%dma_wait3A_48, %dma_wait3A_49] : memref<10000x128xf32, #tpu.memory_space<hbm>> -> memref<10000x128xf32, #tpu.memory_space<hbm>>
    tpu.wait_indirect_dma semaphore(%arg27 : memref<!tpu.dma_semaphore, #tpu.memory_space<semaphore_mem>>) src(%dma_wait3A_50 : memref<10000x128xf32, #tpu.memory_space<hbm>>) dst(%arg23 : memref<80x128xf32, #tpu.memory_space<vmem>>)
    "tpu.region"() ({
      %run_scoped3A = tpu.sem_alloc : memref<!tpu.dma_semaphore, #tpu.memory_space<semaphore_mem>>
      %dma_start3A_52 = arith.constant 0 : i32
      %dma_start3A_53 = arith.constant 0 : i32
      %dma_start3A_54 = tpu.memref_slice %arg10[%dma_start3A_52, %dma_start3A_53] : memref<10240x128xf32, #tpu.memory_space<vmem_shared>> -> memref<10240x128xf32, #tpu.memory_space<vmem_shared>>
      tpu.enqueue_indirect_dma source(%arg23 : memref<80x128xf32, #tpu.memory_space<vmem>>) target(%dma_start3A_54 : memref<10240x128xf32, #tpu.memory_space<vmem_shared>>) offsets(%arg15 : memref<80xi32, #tpu.memory_space<vmem>>) semaphore(%run_scoped3A : memref<!tpu.dma_semaphore, #tpu.memory_space<semaphore_mem>>) {add = true}
      %dma_wait3A_55 = arith.constant 0 : i32
      %dma_wait3A_56 = arith.constant 0 : i32
      %dma_wait3A_57 = tpu.memref_slice %arg10[%dma_wait3A_55, %dma_wait3A_56] : memref<10240x128xf32, #tpu.memory_space<vmem_shared>> -> memref<10240x128xf32, #tpu.memory_space<vmem_shared>>
      tpu.wait_indirect_dma semaphore(%run_scoped3A : memref<!tpu.dma_semaphore, #tpu.memory_space<semaphore_mem>>) src(%arg23 : memref<80x128xf32, #tpu.memory_space<vmem>>) dst(%dma_wait3A_57 : memref<10240x128xf32, #tpu.memory_space<vmem_shared>>)
      tpu.yield
    }) : () -> ()
    "tpu.region"() ({
      %run_scoped3A = tpu.sem_alloc : memref<!tpu.dma_semaphore, #tpu.memory_space<semaphore_mem>>
      %dma_start3A_52 = arith.constant 0 : i32
      %dma_start3A_53 = tpu.memref_slice %arg31[%dma_start3A_52] : memref<10240xf32, #tpu.memory_space<vmem_shared>> -> memref<10240xf32, #tpu.memory_space<vmem_shared>>
      tpu.enqueue_indirect_dma source(%arg32 : memref<80xf32, #tpu.memory_space<vmem>>) target(%dma_start3A_53 : memref<10240xf32, #tpu.memory_space<vmem_shared>>) offsets(%arg15 : memref<80xi32, #tpu.memory_space<vmem>>) semaphore(%run_scoped3A : memref<!tpu.dma_semaphore, #tpu.memory_space<semaphore_mem>>) {add = true}
      %dma_wait3A_54 = arith.constant 0 : i32
      %dma_wait3A_55 = tpu.memref_slice %arg31[%dma_wait3A_54] : memref<10240xf32, #tpu.memory_space<vmem_shared>> -> memref<10240xf32, #tpu.memory_space<vmem_shared>>
      tpu.wait_indirect_dma semaphore(%run_scoped3A : memref<!tpu.dma_semaphore, #tpu.memory_space<semaphore_mem>>) src(%arg32 : memref<80xf32, #tpu.memory_space<vmem>>) dst(%dma_wait3A_55 : memref<10240xf32, #tpu.memory_space<vmem_shared>>)
      tpu.yield
    }) : () -> ()
    %barrier3A_51 = arith.constant 0 : index
    tpu.barrier barrier_id(%barrier3A_51)
    "tpu.region"() ({
      %run_scoped3A = tpu.sem_alloc : memref<!tpu.dma_semaphore, #tpu.memory_space<semaphore_mem>>
      %dma_start3A_52 = arith.constant 0 : i32
      %dma_start3A_53 = tpu.memref_slice %arg8[%arg0, %mul3A_2, %dma_start3A_52] : memref<2x10240x128xf32, #tpu.memory_space<hbm>> -> memref<1x640x128xf32, #tpu.memory_space<hbm>>
      %dma_start3A_54 = tpu.memref_squeeze %dma_start3A_53 : memref<1x640x128xf32, #tpu.memory_space<hbm>> -> memref<640x128xf32, #tpu.memory_space<hbm>>
      %dma_start3A_55 = arith.constant 0 : i32
      %dma_start3A_56 = tpu.memref_slice %arg10[%mul3A_2, %dma_start3A_55] : memref<10240x128xf32, #tpu.memory_space<vmem_shared>> -> memref<640x128xf32, #tpu.memory_space<vmem_shared>>
      tpu.enqueue_dma source(%dma_start3A_56 : memref<640x128xf32, #tpu.memory_space<vmem_shared>>) target(%dma_start3A_54 : memref<640x128xf32, #tpu.memory_space<hbm>>) target_semaphore(%run_scoped3A : memref<!tpu.dma_semaphore, #tpu.memory_space<semaphore_mem>>)
      %dma_wait3A_57 = arith.constant 0 : i32
      %dma_wait3A_58 = tpu.memref_slice %arg8[%arg0, %mul3A_2, %dma_wait3A_57] : memref<2x10240x128xf32, #tpu.memory_space<hbm>> -> memref<1x640x128xf32, #tpu.memory_space<hbm>>
      %dma_wait3A_59 = tpu.memref_squeeze %dma_wait3A_58 : memref<1x640x128xf32, #tpu.memory_space<hbm>> -> memref<640x128xf32, #tpu.memory_space<hbm>>
      %dma_wait3A_60 = arith.constant 0 : i32
      %dma_wait3A_61 = tpu.memref_slice %arg10[%mul3A_2, %dma_wait3A_60] : memref<10240x128xf32, #tpu.memory_space<vmem_shared>> -> memref<640x128xf32, #tpu.memory_space<vmem_shared>>
      tpu.wait_dma2 semaphore(%run_scoped3A : memref<!tpu.dma_semaphore, #tpu.memory_space<semaphore_mem>>) src(%dma_wait3A_61 : memref<640x128xf32, #tpu.memory_space<vmem_shared>>) dst(%dma_wait3A_59 : memref<640x128xf32, #tpu.memory_space<hbm>>)
      tpu.yield
    }) : () -> ()
    "tpu.region"() ({
      %run_scoped3A = tpu.sem_alloc : memref<!tpu.dma_semaphore, #tpu.memory_space<semaphore_mem>>
      %dma_start3A_52 = tpu.memref_slice %arg9[%arg0, %mul3A_2] : memref<2x10240xf32, #tpu.memory_space<hbm>> -> memref<1x640xf32, #tpu.memory_space<hbm>>
      %dma_start3A_53 = tpu.memref_squeeze %dma_start3A_52 : memref<1x640xf32, #tpu.memory_space<hbm>> -> memref<640xf32, #tpu.memory_space<hbm>>
      %dma_start3A_54 = tpu.memref_slice %arg31[%mul3A_2] : memref<10240xf32, #tpu.memory_space<vmem_shared>> -> memref<640xf32, #tpu.memory_space<vmem_shared>>
      tpu.enqueue_dma source(%dma_start3A_54 : memref<640xf32, #tpu.memory_space<vmem_shared>>) target(%dma_start3A_53 : memref<640xf32, #tpu.memory_space<hbm>>) target_semaphore(%run_scoped3A : memref<!tpu.dma_semaphore, #tpu.memory_space<semaphore_mem>>)
      %dma_wait3A_55 = tpu.memref_slice %arg9[%arg0, %mul3A_2] : memref<2x10240xf32, #tpu.memory_space<hbm>> -> memref<1x640xf32, #tpu.memory_space<hbm>>
      %dma_wait3A_56 = tpu.memref_squeeze %dma_wait3A_55 : memref<1x640xf32, #tpu.memory_space<hbm>> -> memref<640xf32, #tpu.memory_space<hbm>>
      %dma_wait3A_57 = tpu.memref_slice %arg31[%mul3A_2] : memref<10240xf32, #tpu.memory_space<vmem_shared>> -> memref<640xf32, #tpu.memory_space<vmem_shared>>
      tpu.wait_dma2 semaphore(%run_scoped3A : memref<!tpu.dma_semaphore, #tpu.memory_space<semaphore_mem>>) src(%dma_wait3A_57 : memref<640xf32, #tpu.memory_space<vmem_shared>>) dst(%dma_wait3A_56 : memref<640xf32, #tpu.memory_space<hbm>>)
      tpu.yield
    }) : () -> ()
    return
  }
}

module attributes {stable_mosaic.version = 14 : i64} {
  func.func @_combine_body(%arg0: i32, %arg1: memref<2x1000x128xf32, #tpu.memory_space<vmem>>, %arg2: memref<2x1000x1xf32, #tpu.memory_space<vmem>>, %arg3: memref<1000x128xf32, #tpu.memory_space<vmem>>) attributes {dimension_semantics = [#tpu.dimension_semantics<arbitrary>], iteration_bounds = array<i64: 10>, scalar_prefetch = 0 : i64, scratch_operands = 0 : i64, tpu.core_type = #tpu.core_type<tc>, window_params = [{transform_indices = @transform_0, window_bounds = array<i64: 2, 1000, 128>}, {transform_indices = @transform_1, window_bounds = array<i64: 2, 1000, 1>}, {transform_indices = @transform_2, window_bounds = array<i64: 1000, 128>}]} {
    %get3A = arith.constant 0 : index
    %get3A_0 = arith.constant 0 : index
    %get3A_1 = arith.constant 0 : index
    %get3A_2 = vector.load %arg1[%get3A, %get3A_0, %get3A_1] : memref<2x1000x128xf32, #tpu.memory_space<vmem>>, vector<1x1000x128xf32>
    %get3A_3 = vector.shape_cast %get3A_2 : vector<1x1000x128xf32> to vector<1000x128xf32>
    %get3A_4 = arith.constant 1 : index
    %get3A_5 = arith.constant 0 : index
    %get3A_6 = arith.constant 0 : index
    %get3A_7 = vector.load %arg1[%get3A_4, %get3A_5, %get3A_6] : memref<2x1000x128xf32, #tpu.memory_space<vmem>>, vector<1x1000x128xf32>
    %get3A_8 = vector.shape_cast %get3A_7 : vector<1x1000x128xf32> to vector<1000x128xf32>
    %add3A = arith.addf %get3A_3, %get3A_8 : vector<1000x128xf32>
    %get3A_9 = arith.constant 0 : index
    %get3A_10 = arith.constant 0 : index
    %get3A_11 = arith.constant 0 : index
    %get3A_12 = vector.load %arg2[%get3A_9, %get3A_10, %get3A_11] : memref<2x1000x1xf32, #tpu.memory_space<vmem>>, vector<1x1000x1xf32>
    %get3A_13 = vector.shape_cast %get3A_12 : vector<1x1000x1xf32> to vector<1000x1xf32>
    %get3A_14 = arith.constant 1 : index
    %get3A_15 = arith.constant 0 : index
    %get3A_16 = arith.constant 0 : index
    %get3A_17 = vector.load %arg2[%get3A_14, %get3A_15, %get3A_16] : memref<2x1000x1xf32, #tpu.memory_space<vmem>>, vector<1x1000x1xf32>
    %get3A_18 = vector.shape_cast %get3A_17 : vector<1x1000x1xf32> to vector<1000x1xf32>
    %add3A_19 = arith.addf %get3A_13, %get3A_18 : vector<1000x1xf32>
    %max3A = arith.constant 1.000000e+00 : f32
    %max3A_20 = vector.broadcast %max3A : f32 to vector<1000x1xf32>
    %max3A_21 = arith.maximumf %add3A_19, %max3A_20 : vector<1000x1xf32>
    %div3A = arith.constant 1.000000e+00 : f32
    %div3A_22 = vector.broadcast %div3A : f32 to vector<1000x1xf32>
    %div3A_23 = arith.divf %div3A_22, %max3A_21 : vector<1000x1xf32>
    %mul3A = vector.broadcast %div3A_23 : vector<1000x1xf32> to vector<1000x128xf32>
    %mul3A_24 = arith.mulf %add3A, %mul3A : vector<1000x128xf32>
    %swap3A = arith.constant 0 : index
    %swap3A_25 = arith.constant 0 : index
    %swap3A_26 = vector.load %arg3[%swap3A, %swap3A_25] : memref<1000x128xf32, #tpu.memory_space<vmem>>, vector<1000x128xf32>
    tpu.vector_store %arg3[%swap3A, %swap3A_25], %mul3A_24 {strides = array<i32>} : memref<1000x128xf32, #tpu.memory_space<vmem>>, vector<1000x128xf32>,
    return
  }
  func.func @transform_0(%arg0: i32) -> (i32, i32, i32) {
    %c0_i32 = arith.constant 0 : i32
    %c0_i32_0 = arith.constant 0 : i32
    %c0_i32_1 = arith.constant 0 : i32
    return %c0_i32, %arg0, %c0_i32_0 : i32, i32, i32
  }
  func.func @transform_1(%arg0: i32) -> (i32, i32, i32) {
    %c0_i32 = arith.constant 0 : i32
    %c0_i32_0 = arith.constant 0 : i32
    %c0_i32_1 = arith.constant 0 : i32
    return %c0_i32, %arg0, %c0_i32_0 : i32, i32, i32
  }
  func.func @transform_2(%arg0: i32) -> (i32, i32) {
    %c0_i32 = arith.constant 0 : i32
    %c0_i32_0 = arith.constant 0 : i32
    return %arg0, %c0_i32 : i32, i32
  }
}

module attributes {stable_mosaic.version = 14 : i64} {
  func.func @_combine_body(%arg0: i32, %arg1: memref<2x1000x128xf32, #tpu.memory_space<vmem>>, %arg2: memref<2x1000x1xf32, #tpu.memory_space<vmem>>, %arg3: memref<1000x128xf32, #tpu.memory_space<vmem>>) attributes {dimension_semantics = [#tpu.dimension_semantics<arbitrary>], iteration_bounds = array<i64: 10>, scalar_prefetch = 0 : i64, scratch_operands = 0 : i64, tpu.core_type = #tpu.core_type<tc>, window_params = [{transform_indices = @transform_0, window_bounds = array<i64: 2, 1000, 128>}, {transform_indices = @transform_1, window_bounds = array<i64: 2, 1000, 1>}, {transform_indices = @transform_2, window_bounds = array<i64: 1000, 128>}]} {
    %get3A = arith.constant 0 : index
    %get3A_0 = arith.constant 0 : index
    %get3A_1 = arith.constant 0 : index
    %get3A_2 = vector.load %arg1[%get3A, %get3A_0, %get3A_1] : memref<2x1000x128xf32, #tpu.memory_space<vmem>>, vector<1x1000x128xf32>
    %get3A_3 = vector.shape_cast %get3A_2 : vector<1x1000x128xf32> to vector<1000x128xf32>
    %get3A_4 = arith.constant 1 : index
    %get3A_5 = arith.constant 0 : index
    %get3A_6 = arith.constant 0 : index
    %get3A_7 = vector.load %arg1[%get3A_4, %get3A_5, %get3A_6] : memref<2x1000x128xf32, #tpu.memory_space<vmem>>, vector<1x1000x128xf32>
    %get3A_8 = vector.shape_cast %get3A_7 : vector<1x1000x128xf32> to vector<1000x128xf32>
    %add3A = arith.addf %get3A_3, %get3A_8 : vector<1000x128xf32>
    %get3A_9 = arith.constant 0 : index
    %get3A_10 = arith.constant 0 : index
    %get3A_11 = arith.constant 0 : index
    %get3A_12 = vector.load %arg2[%get3A_9, %get3A_10, %get3A_11] : memref<2x1000x1xf32, #tpu.memory_space<vmem>>, vector<1x1000x1xf32>
    %get3A_13 = vector.shape_cast %get3A_12 : vector<1x1000x1xf32> to vector<1000x1xf32>
    %get3A_14 = arith.constant 1 : index
    %get3A_15 = arith.constant 0 : index
    %get3A_16 = arith.constant 0 : index
    %get3A_17 = vector.load %arg2[%get3A_14, %get3A_15, %get3A_16] : memref<2x1000x1xf32, #tpu.memory_space<vmem>>, vector<1x1000x1xf32>
    %get3A_18 = vector.shape_cast %get3A_17 : vector<1x1000x1xf32> to vector<1000x1xf32>
    %add3A_19 = arith.addf %get3A_13, %get3A_18 : vector<1000x1xf32>
    %max3A = arith.constant 1.000000e+00 : f32
    %max3A_20 = vector.broadcast %max3A : f32 to vector<1000x1xf32>
    %max3A_21 = arith.maximumf %add3A_19, %max3A_20 : vector<1000x1xf32>
    %div3A = arith.constant 1.000000e+00 : f32
    %div3A_22 = vector.broadcast %div3A : f32 to vector<1000x1xf32>
    %div3A_23 = arith.divf %div3A_22, %max3A_21 : vector<1000x1xf32>
    %mul3A = vector.broadcast %div3A_23 : vector<1000x1xf32> to vector<1000x128xf32>
    %mul3A_24 = arith.mulf %add3A, %mul3A : vector<1000x128xf32>
    %swap3A = arith.constant 0 : index
    %swap3A_25 = arith.constant 0 : index
    %swap3A_26 = vector.load %arg3[%swap3A, %swap3A_25] : memref<1000x128xf32, #tpu.memory_space<vmem>>, vector<1000x128xf32>
    tpu.vector_store %arg3[%swap3A, %swap3A_25], %mul3A_24 {strides = array<i32>} : memref<1000x128xf32, #tpu.memory_space<vmem>>, vector<1000x128xf32>,
    return
  }
  func.func @transform_0(%arg0: i32) -> (i32, i32, i32) {
    %c0_i32 = arith.constant 0 : i32
    %c0_i32_0 = arith.constant 0 : i32
    %c0_i32_1 = arith.constant 0 : i32
    return %c0_i32, %arg0, %c0_i32_0 : i32, i32, i32
  }
  func.func @transform_1(%arg0: i32) -> (i32, i32, i32) {
    %c0_i32 = arith.constant 0 : i32
    %c0_i32_0 = arith.constant 0 : i32
    %c0_i32_1 = arith.constant 0 : i32
    return %c0_i32, %arg0, %c0_i32_0 : i32, i32, i32
  }
  func.func @transform_2(%arg0: i32) -> (i32, i32) {
    %c0_i32 = arith.constant 0 : i32
    %c0_i32_0 = arith.constant 0 : i32
    return %arg0, %c0_i32 : i32, i32
  }
}

</mosaic_0001>

<sc_bundles>
// kernel: kernel.6.cloned.1.call-start
scs
__scs_entry_jumppad:
0x0: {  	(pc) =	sbr.rel $0x88, $3  }
0x1: {  	(tag) =	ssettag $0x0;
	lr =	simm.s32 $0x1  }
0x2: {  	[smem:$0x3F9F] =	sst lr;
	_ =	strace $0xD0000000  }
0x3: {  	_ = 	snop  }
0x4: {  	_ = 	snop  }
0x5: {  	_ = 	snop  }
0x6: {  	_ = 	snop  }
0x7: {  	_ = 	snop  }
__scs_overlays_trampoline_lowered:
0x8: {  	[smem:$0x3FAE] =	sst s0  }
0x9: {  	[smem:$0x3FAF] =	sst s1  }
0xa: {  	[smem:$0x3FB0] =	sst s2  }
0xb: {  	[smem:$0x3FB1] =	sst s3  }
0xc: {  	[smem:$0x3FB2] =	sst s4  }
0xd: {  	[smem:$0x3FB3] =	sst s5  }
0xe: {  	[smem:$0x3FB4] =	sst s6  }
0xf: {  	[smem:$0x3FB5] =	sst s7  }
0x10: {  	[smem:$0x3FB6] =	sst s8  }
0x11: {  	[smem:$0x3FB7] =	sst s9;
	s0 =	simm.s32 @!p0 $0x0  }
0x12: {  	s1 =	sld [smem:$0x3F9D];
	s0 =	simm.s32 @p0 $0x1  }
0x13: {  	[smem:$0x3FB8] =	sst s0;
	s0 =	simm.s32 @!p1 $0x0  }
0x14: {  	s2 =	sld [smem:$0x3F9C];
	s0 =	simm.s32 @p1 $0x1  }
0x15: {  	[smem:$0x3FB9] =	sst s0;
	s0 =	simm.s32 @!p2 $0x0  }
0x16: {  	s3 =	sld [smem:$0x3FDB];
	s0 =	simm.s32 @p2 $0x1  }
0x17: {  	s4 =	simm.s32 $0x1BF5;
	[smem:$0x3FBB] =	sst s0  }
0x18: {  	s0 =	sld [smem:$0x3F9E];
	_ =	swait.ge [sflag:s4], $0x0  }
0x19: {  	s7 =	sld [smem:$0x3F9F]  }
0x1a: {  	s8 =	sadd.s32 $0xFFFFE003, lr  }
0x1b: {  	s9 =	sadd.s32 $0xFFFFFEF7, lr;
	s5 =	simm.s32 $0xFFFFFFFF;
	p2 =	slt.u32 s8, $0xFFFFF086  }
0x1c: {  	p1 =	slt.u32 s9, $0xF7A;
	s5 =	simm.s32 @!p2 $0x0  }
0x1d: {  	s5 =	simm.s32 @p1 $0x1;
	p0 =	seq.s32 s7, s2  }
0x1e: {  	s7 =	smul.u32 @!p0 $0xF7A, s2;
	p2 =	seq.s32 @!p0 s5, $0x0  }
0x1f: {  	s9 =	smul.u32 $0xF7A, s1;
	s8 =	simm.s32 @!p0 $0x1BF5;
	p2 =	por !p2, p0  }
0x20: {  	[sflag:s8] =	ssyncset.s32 @!p0 $0xFFFFF086;
	s6 =	sadd.s32 @!p0 s3, s7;
	s7 =	simm.s32 @!p0 $0x108  }
0x21: {  	s3 =	sadd.s32 s3, s9;
	s6 =	sadd.s32 @!p0 $0x88, s6;
	s7 =	simm.s32 @p2 $0x1082  }
0x22: {  	[simem:s7], [sflag:s8] =	dma.local @!p0 [hbm:s6], $0xF7A  }
0x23: {  	s9 =	sor.u32 $0xD0000000, s2;
	s6 =	simm.s32 $0x108;
	_ =	swait.ge @!p0 [sflag:s8], $0x0  }
0x24: {  	s3 =	sadd.s32 $0x88, s3;
	s6 =	simm.s32 @!p1 $0x1082;
	[sflag:s4] =	ssyncset.s32 $0xFFFFF086  }
0x25: {  	[simem:s6], [sflag:s4] =	dma.local [hbm:s3], $0xF7A  }
0x26: {  	[smem:$0x3F9F] =	sst s1;
	(tag) =	ssettag s2;
	_ =	strace s9  }
0x27: {  	s1 =	sld [smem:$0x3FAF]  }
0x28: {  	s2 =	sld [smem:$0x3FB0]  }
0x29: {  	s4 =	sld [smem:$0x3FB2]  }
0x2a: {  	p0 =	seq.s32 s5, $0x0;
	s5 =	sld [smem:$0x3FB3]  }
0x2b: {  	s6 =	sld [smem:$0x3FB4]  }
0x2c: {  	s7 =	sld [smem:$0x3FB5]  }
0x2d: {  	s3 =	simm.s32 $0x108;
	s8 =	sld [smem:$0x3FB6]  }
0x2e: {  	s3 =	simm.s32 @!p0 $0x1082;
	s9 =	sld [smem:$0x3FB7]  }
0x2f: {  	lr =	sadd.s32 s0, s3;
	s0 =	sld [smem:$0x3FAE]  }
0x30: {  	s3 =	sld [smem:$0x3FB1]  }
0x31: {  	[smem:$0x3FBA] =	sst s10  }
0x32: {  	s10 =	sld [smem:$0x3FB8];
	_ =	sdelay $0x3  }
0x33: {  	p0 =	seq.s32 s10, $0x1;
	s10 =	sld [smem:$0x3FBA];
	_ =	sdelay $0x3  }
0x34: {  	[smem:$0x3FBA] =	sst s10  }
0x35: {  	s10 =	sld [smem:$0x3FB9];
	_ =	sdelay $0x3  }
0x36: {  	p1 =	seq.s32 s10, $0x1;
	s10 =	sld [smem:$0x3FBA];
	_ =	sdelay $0x3  }
0x37: {  	[smem:$0x3FBA] =	sst s10  }
0x38: {  	s10 =	sld [smem:$0x3FBB]  }
0x39: {  	_ = 	snop;
	(pc) =	sbr.ind lr, $3  }
0x3a: {  	_ = 	snop  }
0x3b: {  	_ = 	snop  }
0x3c: {  	p2 =	seq.s32 s10, $0x1;
	s10 =	sld [smem:$0x3FBA]  }
0x3d: {  	_ =	shalt  }
0x3e: {  	_ =	shalt  }
0x3f: {  	_ =	shalt  }
0x40: {  	_ =	shalt  }
0x41: {  	_ =	shalt  }
0x42: {  	_ =	shalt  }
0x43: {  	_ =	shalt  }
0x44: {  	_ =	shalt  }
0x45: {  	_ =	shalt  }
0x46: {  	_ =	shalt  }
0x47: {  	_ =	shalt  }
0x48: {  	_ =	shalt  }
0x49: {  	_ =	shalt  }
0x4a: {  	_ =	shalt  }
0x4b: {  	_ =	shalt  }
0x4c: {  	_ =	shalt  }
0x4d: {  	_ =	shalt  }
0x4e: {  	_ =	shalt  }
0x4f: {  	_ =	shalt  }
0x50: {  	_ =	shalt  }
0x51: {  	_ =	shalt  }
0x52: {  	_ =	shalt  }
0x53: {  	_ =	shalt  }
0x54: {  	_ =	shalt  }
0x55: {  	_ =	shalt  }
0x56: {  	_ =	shalt  }
0x57: {  	_ =	shalt  }
0x58: {  	_ =	shalt  }
0x59: {  	_ =	shalt  }
0x5a: {  	_ =	shalt  }
0x5b: {  	_ =	shalt  }
0x5c: {  	_ =	shalt  }
0x5d: {  	_ =	shalt  }
0x5e: {  	_ =	shalt  }
0x5f: {  	_ =	shalt  }
0x60: {  	_ =	shalt  }
0x61: {  	_ =	shalt  }
0x62: {  	_ =	shalt  }
0x63: {  	_ =	shalt  }
0x64: {  	_ =	shalt  }
0x65: {  	_ =	shalt  }
0x66: {  	_ =	shalt  }
0x67: {  	_ =	shalt  }
0x68: {  	_ =	shalt  }
0x69: {  	_ =	shalt  }
0x6a: {  	_ =	shalt  }
0x6b: {  	_ =	shalt  }
0x6c: {  	_ =	shalt  }
0x6d: {  	_ =	shalt  }
0x6e: {  	_ =	shalt  }
0x6f: {  	_ =	shalt  }
0x70: {  	_ =	shalt  }
0x71: {  	_ =	shalt  }
0x72: {  	_ =	shalt  }
0x73: {  	_ =	shalt  }
0x74: {  	_ =	shalt  }
0x75: {  	_ =	shalt  }
0x76: {  	_ =	shalt  }
0x77: {  	_ =	shalt  }
0x78: {  	_ =	shalt  }
0x79: {  	_ =	shalt  }
0x7a: {  	_ =	shalt  }
0x7b: {  	_ =	shalt  }
0x7c: {  	_ =	shalt  }
0x7d: {  	_ =	shalt  }
0x7e: {  	_ =	shalt  }
0x7f: {  	_ =	shalt  }
0x80: {  	_ =	shalt  }
0x81: {  	_ =	shalt  }
0x82: {  	_ =	shalt  }
0x83: {  	_ =	shalt  }
0x84: {  	_ =	shalt  }
0x85: {  	_ =	shalt  }
0x86: {  	_ =	shalt  }
0x87: {  	_ =	shalt  }
.Lfunc_end0:
.L_simem_size_0:
called_computation_lowered:
.L_overlay_start_0:
0x88: {  	s2 =	sld [smem:$0x3FD9]  }
0x89: {  	s3 =	sld [smem:$0x3FFE];
	_ =	sdelay $0x1  }
0x8a: {  	s1 =	srdreg.scid  }
0x8b: {  	s0 =	sand.u32 $0x1, s1  }
0x8c: {  	s17 =	sshll.u32 s0, $0xA;
	s2 =	sadd.s32 s3, s2  }
0x8d: {  	s2 =	sadd.s32 s2, s17  }
0x8e: {  	[smem:$0x3FC6] =	sst s2  }
0x8f: {  	_ = 	snop  }
0x90: {  	s2 =	sld [smem:$0x3FC9]  }
0x91: {  	s18 =	sld [smem:$0x3FD0];
	(tm) =	ssettm $0x1  }
0x92: {  	s4 =	sld [smem:$0x3FFB];
	_ =	sdelay $0x3  }
0x93: {  	_ =	strace s4  }
0x94: {  	s4 =	sld [smem:$0x3FFC];
	_ =	sdelay $0x3  }
0x95: {  	_ =	strace s4  }
0x96: {  	s4 =	sld [smem:$0x3FFD];
	_ =	sdelay $0x3  }
0x97: {  	_ =	strace s4  }
0x98: {  	_ =	strace $0x8FFFFFFF  }
0x99: {  	s19 =	sld [smem:$0x3FDB];
	_ =	sdelay $0x1  }
0x9a: {  	s5 =	simm.s32 $_scs_section_size  }
0x9b: {  	s6 =	simm.s32 $_size__tile_overlayer_lowered;
	s7 =	simm.s32 $_tile_overlayer_lowered  }
0x9c: {  	s22 =	simm.s32 $0x1BFF;
	s21 =	sshll.u32 s7, $0x1;
	s4 =	sadd.s32 s5, s19  }
0x9d: {  	s8 =	simm.s32 $0x0;
	s20 =	sshll.u32 s6, $0x1;
	s6 =	sadd.s32 s21, s4  }
0x9e: {  	[timem:s8], [sflag:s22] =	dma.local [hbm:s6], s20  }
0x9f: {  	_ =	swait.ge [sflag:s22], s20  }
0xa0: {  	s5 =	ssub.s32 $0x0, s20;
	[sflag:s22] =	ssyncset.done $0x0  }
0xa1: {  	[sflag:s22] =	ssyncadd.s32 s5;
	_ =	sdelay $0x1  }
0xa2: {  	s23 =	simm.s32 $0x1B8B  }
0xa3: {  	_ =	swait.ge [sflag:s23], $0x1  }
0xa4: {  	[sflag:s23] =	ssyncset.done $0x0  }
0xa5: {  	s25 =	simm.s32 $0x1B8E;
	s24 =	sld [smem:$0x3FFE];
	[sflag:s23] =	ssyncadd.s32 $0xFFFFFFFF  }
0xa6: {  	s26 =	simm.s32 $execute0_lowered;
	[smem:$0x3FD2] =	sst s25  }
0xa7: {  	s6 =	sshll.u32 s26, $0x1;
	_ =	strace $0x80000046;
	[dreg:$0x1] =	wrdreg $0xFFFFFFFF  }
0xa8: {  	s28 =	simm.s32 $_size_execute0_lowered;
	s4 =	sadd.s32 s4, s6;
	[dreg:$0x0] =	wrdreg $0x0  }
0xa9: {  	s6 =	sshll.u32 s28, $0x1;
	[dreg:$0x2] =	wrdreg s4  }
0xaa: {  	[dreg:$0x3] =	wrdreg s6  }
0xab: {  	[dreg:$0x4] =	wrdreg $0xC0  }
0xac: {  	_ =	task [dreg:s8], $0x5FFFF  }
0xad: {  	[dreg:$0x1] =	wrdreg $0xFFFFFFFF  }
0xae: {  	[dreg:$0x0] =	wrdreg $0x60  }
0xaf: {  	[dreg:$0x2] =	wrdreg s2  }
0xb0: {  	[dreg:$0x3] =	wrdreg s24  }
0xb1: {  	[dreg:$0x4] =	wrdreg s18  }
0xb2: {  	[dreg:$0x5] =	wrdreg $0x0  }
0xb3: {  	[dreg:$0x6] =	wrdreg $0x1E4000  }
0xb4: {  	[dreg:$0x7] =	wrdreg $0x9  }
0xb5: {  	_ =	task.clear_ibuf [dreg:s8], $0x8FFFF;
	_ =	strace $0x90000046  }
0xb6: {  	s29 =	simm.s32 $0x9;
	_ =	strace $0x80000048  }
0xb7: {  	_ =	swait.ge [sflag:s29], $0x1  }
0xb8: {  	[sflag:s29] =	ssyncadd.s32 $0xFFFFFFFF  }
0xb9: {  	_ =	strace $0x90000048  }
0xba: {  	_ =	sfence  }
0xbb: {  	s30 =	sld [smem:$0x0];
	_ =	sdelay $0x2  }
0xbc: {  	s31 =	sshll.u32 s1, $0xD;
	s1 =	sshrl.u32 s1, $0x2  }
0xbd: {  	s3 =	sand.u32 $0x4000, s31;
	s1 =	sadd.s32 s1, s30  }
0xbe: {  	s0 =	sor.u32 s3, s0;
	s1 =	sshll.u32 s1, $0x11  }
0xbf: {  	s0 =	sor.u32 s1, s0  }
0xc0: {  	s0 =	sadd.s32 $0x8F2B, s0  }
0xc1: {  	[sflag:s0] =	ssyncadd.remote.s32 $0x1  }
0xc2: {  	_ =	sfence.sel $0xFFFF  }
0xc3: {  	[dreg:$0x0] =	wrdreg $0xFFFFFFFF;
	(pc) =	sbr.abs _section_cstart, $3  }
0xc4: {  	[dreg:$0x1] =	wrdreg $0xFFFFFFFF  }
0xc5: {  	_ =	task.clear_ibuf [dreg:s8], $0x2FFFF;
	_ =	strace $0x9FFFFFFF  }
0xc6: {  	(tm) =	ssettm $0x7FFFFFFF  }
0xc7: {  	_ =	shalt  }
tec
execute0_lowered:
.L_overlay_start_1:
0x0: {  	(tag) =	ssettag $0x1  }
0x1: {  	s1 =	rddreg [dreg:$0x0]  }
0x2: {  	s0 =	rddreg [dreg:$0x1]  }
0x3: {  	s2 =	rddreg [dreg:$0x2]  }
0x4: {  	s3 =	rddreg [dreg:$0x3]  }
0x5: {  	s4 =	rddreg [dreg:$0x4]  }
0x6: {  	s7 =	stileid.u32;
	s5 =	simm.s32 $0x0;
	s6 =	srdreg.scid  }
0x7: {  	s28 =	simm.s32 $0x14200;
	s30 =	simm.s32 $0x14100;
	s29 =	simm.s32 $0x16C00  }
0x8: {  	s31 =	simm.s32 $0x1BC00;
	s8 =	smul.u32 $0x14000, s7;
	[smem:$0x7FF] =	sst s5  }
0x9: {  	s9 =	smul.u32 $0x280, s7;
	s10 =	sand.u32 $0x1, s6;
	s6 =	sadd.s32 $0xB400, s0  }
0xa: {  	s26 =	sadd.s32 $0x1600, s0;
	s21 =	sadd.s32 $0x15200, s0;
	s16 =	smul.u32 $0x50000, s7  }
0xb: {  	s25 =	sshll.u32 s7, $0x6;
	s20 =	smul.u32 $0x2710, s7;
	_ =	strace $0x80000047  }
0xc: {  	s11 =	smul.u32 $0x140000, s10;
	[dreg:$0xc] =	wrdreg s21;
	s22 =	ssub.s32 $0x2, s10  }
0xd: {  	s15 =	sshll.u32 s10, $0x4;
	s17 =	smul.u32 $0x27100, s10;
	s10 =	sshll.u32 s10, $0x7  }
0xe: {  	s12 =	sshrl.u32 s8, $0x3;
	s13 =	sshrl.u32 s9, $0x3;
	s14 =	sshrl.u32 s22, $0x1  }
0xf: {  	s23 =	sor.u32 s7, s15;
	s24 =	sshrl.u32 s16, $0x2;
	s9 =	sadd.s32 s9, s4  }
0x10: {  	s12 =	sadd.s32 s12, s0;
	s13 =	sadd.s32 s13, s0;
	s8 =	sadd.s32 s8, s11  }
0x11: {  	s11 =	smul.u32 $0x2710, s23;
	s23 =	sor.u32 $0x1C09, s25;
	[dreg:$0x10] =	wrdreg s9  }
0x12: {  	s8 =	sshrl.u32 s8, $0x3;
	s12 =	sadd.s32 $0x15A00, s12;
	s18 =	sadd.s32 $0x15400, s13  }
0x13: {  	[dreg:$0xf] =	wrdreg s23;
	s0 =	sadd.s32 s8, s0;
	s8 =	ssub.s32 s22, s14  }
0x14: {  	s14 =	sadd.s32 s24, s3;
	[dreg:$0xe] =	wrdreg s12;
	s16 =	sshrl.u32 s11, $0x3  }
0x15: {  	[dreg:$0x11] =	wrdreg s18;
	s24 =	smul.u32 $0x500, s7;
	s11 =	sadd.s32 s20, s17  }
0x16: {  	s7 =	simm.s32 $0x14000;
	[dreg:$0xd] =	wrdreg s14;
	s19 =	sadd.s32 s6, s16  }
0x17: {  	s21 =	sadd.s32 s26, s16;
	s22 =	sadd.s32 $0xA, s16;
	[dreg:$0x12] =	wrdreg s19  }
0x18: {  	s9 =	sadd.s32 $0x14, s16;
	s0 =	sadd.s32 $0x3DA00, s0;
	[dreg:$0x13] =	wrdreg s21  }
0x19: {  	s14 =	sadd.s32 $0x1E0, s11;
	s25 =	sadd.s32 s6, s22;
	[dreg:$0x19] =	wrdreg s0  }
0x1a: {  	s12 =	sadd.s32 s26, s22;
	s10 =	sor.u32 s10, s24;
	[dreg:$0x14] =	wrdreg s25  }
0x1b: {  	s16 =	sadd.s32 s6, s9;
	s18 =	sadd.s32 s26, s9;
	[dreg:$0x15] =	wrdreg s12  }
0x1c: {  	s19 =	sadd.s32 $0xF0, s11;
	s21 =	smax.u32 s8, $0x1;
	[dreg:$0x17] =	wrdreg s16  }
0x1d: {  	s24 =	sadd.s32 $0x140, s11;
	s9 =	simm.s32 $0x14300;
	[dreg:$0x18] =	wrdreg s18  }
0x1e: {  	s8 =	simm.s32 $0x50;
	s12 =	sadd.s32 $0x190, s11;
	[dreg:$0x1a] =	wrdreg s21  }
0x1f: {  	s10 =	sshrl.u32 s10, $0x3;
	[dreg:$0x1b] =	wrdreg s24;
	s24 =	simm.s32 $0x9  }
0x20: {  	s16 =	simm.s32 $0x19400;
	s18 =	simm.s32 $0x6;
	s21 =	simm.s32 $0x7  }
0x21: {  	s12 =	sshrl.u32 s12, $0x3;
	s2 =	sadd.s32 s2, s10;
	s10 =	sshrl.u32 s14, $0x3  }
0x22: {  	s14 =	simm.s32 $0x3;
	[dreg:$0x16] =	wrdreg s2;
	s13 =	sadd.s32 s12, s26  }
0x23: {  	s15 =	sadd.s32 s12, s6;
	s17 =	sadd.s32 s10, s26;
	[dreg:$0x6] =	wrdreg s13  }
0x24: {  	s20 =	sadd.s32 s10, s6;
	s2 =	sshrl.u32 s19, $0x3;
	[dreg:$0x7] =	wrdreg s15  }
0x25: {  	s12 =	simm.s32 $0x14280;
	s19 =	simm.s32 $0x4;
	[dreg:$0x8] =	wrdreg s17  }
0x26: {  	s10 =	simm.s32 $0x0;
	[dreg:$0x9] =	wrdreg s20;
	s22 =	sadd.s32 s2, s26  }
0x27: {  	s25 =	sadd.s32 s2, s6;
	s2 =	simm.s32 $0x1;
	s13 =	simm.s32 $0x5  }
0x28: {  	s20 =	simm.s32 $0x14180;
	s17 =	simm.s32 $0x14380;
	[dreg:$0xa] =	wrdreg s22  }
0x29: {  	[dreg:$0xb] =	wrdreg s25;
	s25 =	simm.s32 $0x1E680;
	s22 =	simm.s32 $0x8  }
.LBB2_1:
0x2a: {  	[dreg:$0x1c] =	wrdreg s10  }
0x2b: {  	s0 =	rddreg [dreg:$0xd]  }
0x2c: {  	s15 =	rddreg [dreg:$0xe];
	s11 =	sshrl.u32 s0, $0x3  }
0x2d: {  	[dreg:$0x1d] =	wrdreg s11  }
0x2e: {  	[spmem:s11], [sflag:s23] =	dma.local [hbm:s15], $0x2800  }
0x2f: {  	_ =	swait.ge [sflag:s24], $0x2800  }
0x30: {  	s10 =	rddreg [dreg:$0x10]  }
0x31: {  	[sflag:s24] =	ssyncset.done $0x0;
	s15 =	rddreg [dreg:$0x11];
	s11 =	sshrl.u32 s10, $0x3  }
0x32: {  	[sflag:s24] =	ssyncadd.s32 $0xFFFFD800;
	[dreg:$0x1e] =	wrdreg s11  }
0x33: {  	[spmem:s11], [sflag:s23] =	dma.local [hbm:s15], $0x50  }
0x34: {  	_ =	swait.ge [sflag:s24], $0x50  }
0x35: {  	[sflag:s24] =	ssyncset.done $0x0  }
0x36: {  	s23 =	rddreg [dreg:$0xc];
	[sflag:s24] =	ssyncadd.s32 $0xFFFFFFB0  }
0x37: {  	[tilespmem:s25], [sflag:$0x9] =	stream.linear.gather [hbm4b:s23+s5], $0x80, $0x38;
	[tilespmem:$0x1E700] =	vst v63  }
0x38: {  	_ =	swait.ge [sflag:s24], $0x80  }
0x39: {  	[sflag:s24] =	ssyncset.done $0x0  }
0x3a: {  	[sflag:s24] =	ssyncadd.s32 $0xFFFFFF80  }
0x3b: {  	[bflag:$0x0] =	sbarrier.arrive $0xFFFF  }
0x3c: {  	s10 =	rddreg [dreg:$0x12]  }
0x3d: {  	[tilespmem:s7], [sflag:$0x1] =	stream.linear.gather [hbm4b:s10+s5], $0x50, $0x38;
	[tilespmem:$0x1E700] =	vst v63  }
0x3e: {  	s11 =	rddreg [dreg:$0x13]  }
0x3f: {  	[tilespmem:s28], [sflag:$0x1] =	stream.linear.gather [hbm4b:s11+s5], $0x50, $0x38;
	[tilespmem:$0x1E700] =	vst v63  }
0x40: {  	s15 =	rddreg [dreg:$0x14];
	s10 =	simm.s32 $0x14080  }
0x41: {  	[tilespmem:s10], [sflag:$0x2] =	stream.linear.gather [hbm4b:s15+s5], $0x50, $0x38;
	[tilespmem:$0x1E700] =	vst v63  }
0x42: {  	s23 =	rddreg [dreg:$0x15]  }
0x43: {  	[tilespmem:s12], [sflag:$0x2] =	stream.linear.gather [hbm4b:s23+s5], $0x50, $0x38;
	[tilespmem:$0x1E700] =	vst v63  }
0x44: {  	s11 =	rddreg [dreg:$0x17]  }
0x45: {  	[tilespmem:s30], [sflag:$0x3] =	stream.linear.gather [hbm4b:s11+s5], $0x50, $0x38;
	[tilespmem:$0x1E700] =	vst v63  }
0x46: {  	s15 =	rddreg [dreg:$0x18]  }
0x47: {  	[tilespmem:s9], [sflag:$0x3] =	stream.linear.gather [hbm4b:s15+s5], $0x50, $0x38;
	[tilespmem:$0x1E700] =	vst v63  }
0x48: {  	_ =	swait.ge [sflag:s2], $0x50  }
0x49: {  	[sflag:s2] =	ssyncset.done $0x0  }
0x4a: {  	[sflag:s2] =	ssyncadd.s32 $0xFFFFFFB0  }
0x4b: {  	_ =	swait.ge [sflag:s2], $0x50  }
0x4c: {  	[sflag:s2] =	ssyncset.done $0x0  }
0x4d: {  	s23 =	simm.s32 $0x2;
	s15 =	simm.s32 $0x14400;
	[sflag:s2] =	ssyncadd.s32 $0xFFFFFFB0  }
0x4e: {  	[tilespmem:s15], [sflag:$0x5] =	stream.indirect.gather [hbm4b:s1+s8], $0x80, s7, s8, $0xb8;
	[tilespmem:$0x1E700] =	vst v63  }
0x4f: {  	_ =	swait.ge [sflag:s23], $0x50  }
0x50: {  	[sflag:s23] =	ssyncset.done $0x0  }
0x51: {  	[sflag:s23] =	ssyncadd.s32 $0xFFFFFFB0  }
0x52: {  	_ =	swait.ge [sflag:s23], $0x50  }
0x53: {  	[sflag:s23] =	ssyncset.done $0x0  }
0x54: {  	[sflag:s23] =	ssyncadd.s32 $0xFFFFFFB0  }
0x55: {  	[tilespmem:s29], [sflag:$0x6] =	stream.indirect.gather [hbm4b:s1+s8], $0x80, s10, s8, $0xb8;
	[tilespmem:$0x1E700] =	vst v63  }
0x56: {  	_ =	swait.ge [sflag:s13], $0x2800  }
0x57: {  	[sflag:s13] =	ssyncset.done $0x0  }
0x58: {  	[sflag:s13] =	ssyncadd.s32 $0xFFFFD800  }
0x59: {  	_ =	swait.ge [sflag:s14], $0x50  }
0x5a: {  	[sflag:s14] =	ssyncset.done $0x0  }
0x5b: {  	[sflag:s14] =	ssyncadd.s32 $0xFFFFFFB0  }
0x5c: {  	_ =	swait.ge [sflag:s14], $0x50  }
0x5d: {  	[sflag:s14] =	ssyncset.done $0x0  }
0x5e: {  	s0 =	rddreg [dreg:$0xb];
	[sflag:s14] =	ssyncadd.s32 $0xFFFFFFB0  }
0x5f: {  	[tilespmem:s16], [sflag:$0x7] =	stream.indirect.gather [hbm4b:s1+s8], $0x80, s30, s8, $0xb8;
	[tilespmem:$0x1E700] =	vst v63  }
0x60: {  	s11 =	rddreg [dreg:$0xa];
	s10 =	sadd.s32 $0x0, s0  }
0x61: {  	[tilespmem:s20], [sflag:$0x4] =	stream.linear.gather [hbm4b:s10+s5], $0x50, $0x38;
	[tilespmem:$0x1E700] =	vst v63  }
0x62: {  	s11 =	sadd.s32 $0x0, s11  }
0x63: {  	[tilespmem:s17], [sflag:$0x4] =	stream.linear.gather [hbm4b:s11+s5], $0x50, $0x38;
	[tilespmem:$0x1E700] =	vst v63  }
0x64: {  	_ = 	snop  }
0x65: {  	[spmem:s3] =	stream.indirect.scatter.add.f32 [tilespmem:s15], [sflag:$0x9], $0x80, s28, s8, $0xb8;
	[tilespmem:$0x1E700] =	vst v63  }
0x66: {  	_ =	swait.ge [sflag:s24], $0x2800  }
0x67: {  	[sflag:s24] =	ssyncset.done $0x0  }
0x68: {  	[sflag:s24] =	ssyncadd.s32 $0xFFFFD800  }
0x69: {  	[spmem:s4] =	stream.indirect.scatter.add.f32 [tilespmem:s25], [sflag:$0x9], $0x1, s28, s8, $0xb8;
	[tilespmem:$0x1E700] =	vst v63  }
0x6a: {  	_ =	swait.ge [sflag:s24], $0x50  }
0x6b: {  	[sflag:s24] =	ssyncset.done $0x0  }
0x6c: {  	[sflag:s24] =	ssyncadd.s32 $0xFFFFFFB0  }
0x6d: {  	_ =	swait.ge [sflag:s18], $0x2800  }
0x6e: {  	[sflag:s18] =	ssyncset.done $0x0  }
0x6f: {  	[sflag:s18] =	ssyncadd.s32 $0xFFFFD800  }
0x70: {  	_ =	swait.ge [sflag:s19], $0x50  }
0x71: {  	[sflag:s19] =	ssyncset.done $0x0  }
0x72: {  	[sflag:s19] =	ssyncadd.s32 $0xFFFFFFB0  }
0x73: {  	_ =	swait.ge [sflag:s19], $0x50  }
0x74: {  	[sflag:s19] =	ssyncset.done $0x0;
	s0 =	rddreg [dreg:$0x1b]  }
0x75: {  	[sflag:s19] =	ssyncadd.s32 $0xFFFFFFB0;
	s10 =	sshrl.u32 s0, $0x3  }
0x76: {  	[tilespmem:s31], [sflag:$0x8] =	stream.indirect.gather [hbm4b:s1+s8], $0x80, s20, s8, $0xb8;
	[tilespmem:$0x1E700] =	vst v63  }
0x77: {  	s23 =	sadd.s32 s6, s10  }
0x78: {  	[tilespmem:s7], [sflag:$0x1] =	stream.linear.gather [hbm4b:s23+s5], $0x50, $0x38;
	[tilespmem:$0x1E700] =	vst v63  }
0x79: {  	s10 =	sadd.s32 s26, s10  }
0x7a: {  	[tilespmem:s28], [sflag:$0x1] =	stream.linear.gather [hbm4b:s10+s5], $0x50, $0x38;
	[tilespmem:$0x1E700] =	vst v63  }
0x7b: {  	_ = 	snop  }
0x7c: {  	[spmem:s3] =	stream.indirect.scatter.add.f32 [tilespmem:s29], [sflag:$0x9], $0x80, s12, s8, $0xb8;
	[tilespmem:$0x1E700] =	vst v63  }
0x7d: {  	_ =	swait.ge [sflag:s24], $0x2800  }
0x7e: {  	[sflag:s24] =	ssyncset.done $0x0  }
0x7f: {  	[sflag:s24] =	ssyncadd.s32 $0xFFFFD800  }
0x80: {  	[spmem:s4] =	stream.indirect.scatter.add.f32 [tilespmem:s25], [sflag:$0x9], $0x1, s12, s8, $0xb8;
	[tilespmem:$0x1E700] =	vst v63  }
0x81: {  	_ =	swait.ge [sflag:s24], $0x50  }
0x82: {  	[sflag:s24] =	ssyncset.done $0x0  }
0x83: {  	[sflag:s24] =	ssyncadd.s32 $0xFFFFFFB0  }
0x84: {  	_ =	swait.ge [sflag:s21], $0x2800  }
0x85: {  	[sflag:s21] =	ssyncset.done $0x0  }
0x86: {  	[sflag:s21] =	ssyncadd.s32 $0xFFFFD800  }
0x87: {  	_ =	swait.ge [sflag:s2], $0x50  }
0x88: {  	[sflag:s2] =	ssyncset.done $0x0  }
0x89: {  	[sflag:s2] =	ssyncadd.s32 $0xFFFFFFB0  }
0x8a: {  	_ =	swait.ge [sflag:s2], $0x50  }
0x8b: {  	p0 =	por $0x0, $0x0;
	[sflag:s2] =	ssyncset.done $0x0  }
0x8c: {  	s23 =	simm.s32 @!p0 $0x0;
	s10 =	rddreg [dreg:$0x7];
	[sflag:s2] =	ssyncadd.s32 $0xFFFFFFB0  }
0x8d: {  	[tilespmem:s15], [sflag:$0x5] =	stream.indirect.gather [hbm4b:s1+s8], $0x80, s7, s8, $0xb8;
	[tilespmem:$0x1E700] =	vst v63  }
0x8e: {  	s11 =	rddreg [dreg:$0x6];
	s10 =	sadd.s32 @!p0 $0x0, s10;
	s15 =	simm.s32 @!p0 $0x14080  }
0x8f: {  	[tilespmem:s15], [sflag:$0x2] =	stream.linear.gather @!p0 [hbm4b:s10+s23], $0x50, $0x38;
	[tilespmem:$0x1E700] =	vst v63  }
0x90: {  	s10 =	sadd.s32 @!p0 $0x0, s11;
	s11 =	simm.s32 @!p0 $0x14280  }
0x91: {  	[tilespmem:s11], [sflag:$0x2] =	stream.linear.gather @!p0 [hbm4b:s10+s23], $0x50, $0x38;
	[tilespmem:$0x1E700] =	vst v63  }
0x92: {  	_ = 	snop  }
0x93: {  	[spmem:s3] =	stream.indirect.scatter.add.f32 [tilespmem:s16], [sflag:$0x9], $0x80, s9, s8, $0xb8;
	[tilespmem:$0x1E700] =	vst v63  }
0x94: {  	_ =	swait.ge [sflag:s24], $0x2800  }
0x95: {  	[sflag:s24] =	ssyncset.done $0x0  }
0x96: {  	[sflag:s24] =	ssyncadd.s32 $0xFFFFD800  }
0x97: {  	[spmem:s4] =	stream.indirect.scatter.add.f32 [tilespmem:s25], [sflag:$0x9], $0x1, s9, s8, $0xb8;
	[tilespmem:$0x1E700] =	vst v63  }
0x98: {  	_ =	swait.ge [sflag:s24], $0x50  }
0x99: {  	[sflag:s24] =	ssyncset.done $0x0  }
0x9a: {  	[sflag:s24] =	ssyncadd.s32 $0xFFFFFFB0  }
0x9b: {  	_ =	swait.ge [sflag:s22], $0x2800  }
0x9c: {  	[sflag:s22] =	ssyncset.done $0x0  }
0x9d: {  	s10 =	simm.s32 @!p0 $0x2;
	[sflag:s22] =	ssyncadd.s32 $0xFFFFD800  }
0x9e: {  	_ =	swait.ge @!p0 [sflag:s10], $0x50  }
0x9f: {  	[sflag:s10] =	ssyncset.done @!p0 $0x0  }
0xa0: {  	[sflag:s10] =	ssyncadd.s32 @!p0 $0xFFFFFFB0  }
0xa1: {  	_ =	swait.ge @!p0 [sflag:s10], $0x50  }
0xa2: {  	s29 =	simm.s32 @!p0 $0x16C00;
	[sflag:s10] =	ssyncset.done @!p0 $0x0  }
0xa3: {  	s11 =	rddreg [dreg:$0x9];
	[sflag:s10] =	ssyncadd.s32 @!p0 $0xFFFFFFB0;
	s10 =	simm.s32 @!p0 $0x50  }
0xa4: {  	[tilespmem:s29], [sflag:$0x6] =	stream.indirect.gather @!p0 [hbm4b:s1+s10], $0x80, s15, s10, $0xb8;
	[tilespmem:$0x1E700] =	vst v63  }
0xa5: {  	s11 =	sadd.s32 @!p0 $0x0, s11;
	s10 =	rddreg [dreg:$0x8];
	s29 =	simm.s32 @!p0 $0x14100  }
0xa6: {  	[tilespmem:s29], [sflag:$0x3] =	stream.linear.gather @!p0 [hbm4b:s11+s23], $0x50, $0x38;
	[tilespmem:$0x1E700] =	vst v63  }
0xa7: {  	s10 =	sadd.s32 @!p0 $0x0, s10;
	s11 =	simm.s32 @!p0 $0x14300  }
0xa8: {  	[tilespmem:s11], [sflag:$0x3] =	stream.linear.gather @!p0 [hbm4b:s10+s23], $0x50, $0x38;
	[tilespmem:$0x1E700] =	vst v63  }
0xa9: {  	_ = 	snop  }
0xaa: {  	[spmem:s3] =	stream.indirect.scatter.add.f32 [tilespmem:s31], [sflag:$0x9], $0x80, s17, s8, $0xb8;
	[tilespmem:$0x1E700] =	vst v63  }
0xab: {  	_ =	swait.ge [sflag:s24], $0x2800  }
0xac: {  	[sflag:s24] =	ssyncset.done $0x0  }
0xad: {  	s20 =	simm.s32 $0x14180;
	[sflag:s24] =	ssyncadd.s32 $0xFFFFD800  }
0xae: {  	[spmem:s4] =	stream.indirect.scatter.add.f32 [tilespmem:s25], [sflag:$0x9], $0x1, s17, s8, $0xb8;
	[tilespmem:$0x1E700] =	vst v63  }
0xaf: {  	s16 =	simm.s32 $0x19400;
	s9 =	simm.s32 $0x14300;
	_ =	swait.ge [sflag:s24], $0x50  }
0xb0: {  	s23 =	simm.s32 $0x28;
	s10 =	smov.u32 s0;
	[sflag:s24] =	ssyncset.done $0x0  }
.LBB2_2:
0xb1: {  	[sflag:s24] =	ssyncadd.s32 $0xFFFFFFB0  }
0xb2: {  	_ =	swait.ge [sflag:s13], $0x2800  }
0xb3: {  	[sflag:s13] =	ssyncset.done $0x0  }
0xb4: {  	[sflag:s13] =	ssyncadd.s32 $0xFFFFD800  }
0xb5: {  	_ =	swait.ge [sflag:s14], $0x50  }
0xb6: {  	[sflag:s14] =	ssyncset.done $0x0  }
0xb7: {  	[sflag:s14] =	ssyncadd.s32 $0xFFFFFFB0  }
0xb8: {  	_ =	swait.ge [sflag:s14], $0x50  }
0xb9: {  	[sflag:s14] =	ssyncset.done $0x0  }
0xba: {  	s11 =	smov.u32 s23;
	s29 =	rddreg [dreg:$0xb];
	[sflag:s14] =	ssyncadd.s32 $0xFFFFFFB0  }
0xbb: {  	[tilespmem:s16], [sflag:$0x7] =	stream.indirect.gather [hbm4b:s1+s8], $0x80, s30, s8, $0xb8;
	[tilespmem:$0x1E700] =	vst v63  }
0xbc: {  	s31 =	rddreg [dreg:$0xa];
	s29 =	sadd.s32 s11, s29  }
0xbd: {  	[tilespmem:s20], [sflag:$0x4] =	stream.linear.gather [hbm4b:s29+s5], $0x50, $0x38;
	[tilespmem:$0x1E700] =	vst v63  }
0xbe: {  	s0 =	sadd.s32 s11, s31  }
0xbf: {  	[tilespmem:s17], [sflag:$0x4] =	stream.linear.gather [hbm4b:s0+s5], $0x50, $0x38;
	[tilespmem:$0x1E700] =	vst v63  }
0xc0: {  	s0 =	simm.s32 $0x14400  }
0xc1: {  	[spmem:s3] =	stream.indirect.scatter.add.f32 [tilespmem:s0], [sflag:$0x9], $0x80, s28, s8, $0xb8;
	[tilespmem:$0x1E700] =	vst v63  }
0xc2: {  	_ =	swait.ge [sflag:s24], $0x2800  }
0xc3: {  	[sflag:s24] =	ssyncset.done $0x0  }
0xc4: {  	[sflag:s24] =	ssyncadd.s32 $0xFFFFD800  }
0xc5: {  	[spmem:s4] =	stream.indirect.scatter.add.f32 [tilespmem:s25], [sflag:$0x9], $0x1, s28, s8, $0xb8;
	[tilespmem:$0x1E700] =	vst v63  }
0xc6: {  	_ =	swait.ge [sflag:s24], $0x50  }
0xc7: {  	[sflag:s24] =	ssyncset.done $0x0  }
0xc8: {  	[sflag:s24] =	ssyncadd.s32 $0xFFFFFFB0  }
0xc9: {  	_ =	swait.ge [sflag:s18], $0x2800  }
0xca: {  	[sflag:s18] =	ssyncset.done $0x0  }
0xcb: {  	[sflag:s18] =	ssyncadd.s32 $0xFFFFD800  }
0xcc: {  	_ =	swait.ge [sflag:s19], $0x50  }
0xcd: {  	[sflag:s19] =	ssyncset.done $0x0  }
0xce: {  	[sflag:s19] =	ssyncadd.s32 $0xFFFFFFB0  }
0xcf: {  	_ =	swait.ge [sflag:s19], $0x50  }
0xd0: {  	s10 =	sadd.s32 $0x140, s10;
	[sflag:s19] =	ssyncset.done $0x0  }
0xd1: {  	s15 =	simm.s32 $0x1BC00;
	s29 =	sshrl.u32 s10, $0x3;
	[sflag:s19] =	ssyncadd.s32 $0xFFFFFFB0  }
0xd2: {  	[tilespmem:s15], [sflag:$0x8] =	stream.indirect.gather [hbm4b:s1+s8], $0x80, s20, s8, $0xb8;
	[tilespmem:$0x1E700] =	vst v63  }
0xd3: {  	s31 =	sadd.s32 s6, s29  }
0xd4: {  	[tilespmem:s7], [sflag:$0x1] =	stream.linear.gather [hbm4b:s31+s5], $0x50, $0x38;
	[tilespmem:$0x1E700] =	vst v63  }
0xd5: {  	s29 =	sadd.s32 s26, s29  }
0xd6: {  	[tilespmem:s28], [sflag:$0x1] =	stream.linear.gather [hbm4b:s29+s5], $0x50, $0x38;
	[tilespmem:$0x1E700] =	vst v63  }
0xd7: {  	s29 =	simm.s32 $0x16C00  }
0xd8: {  	[spmem:s3] =	stream.indirect.scatter.add.f32 [tilespmem:s29], [sflag:$0x9], $0x80, s12, s8, $0xb8;
	[tilespmem:$0x1E700] =	vst v63  }
0xd9: {  	_ =	swait.ge [sflag:s24], $0x2800  }
0xda: {  	[sflag:s24] =	ssyncset.done $0x0  }
0xdb: {  	[sflag:s24] =	ssyncadd.s32 $0xFFFFD800  }
0xdc: {  	[spmem:s4] =	stream.indirect.scatter.add.f32 [tilespmem:s25], [sflag:$0x9], $0x1, s12, s8, $0xb8;
	[tilespmem:$0x1E700] =	vst v63  }
0xdd: {  	_ =	swait.ge [sflag:s24], $0x50  }
0xde: {  	[sflag:s24] =	ssyncset.done $0x0  }
0xdf: {  	[sflag:s24] =	ssyncadd.s32 $0xFFFFFFB0  }
0xe0: {  	_ =	swait.ge [sflag:s21], $0x2800  }
0xe1: {  	[sflag:s21] =	ssyncset.done $0x0  }
0xe2: {  	[sflag:s21] =	ssyncadd.s32 $0xFFFFD800  }
0xe3: {  	_ =	swait.ge [sflag:s2], $0x50  }
0xe4: {  	[sflag:s2] =	ssyncset.done $0x0  }
0xe5: {  	[sflag:s2] =	ssyncadd.s32 $0xFFFFFFB0  }
0xe6: {  	_ =	swait.ge [sflag:s2], $0x50  }
0xe7: {  	p1 =	seq.s32 s11, $0x4B0;
	s30 =	smov.u32 s6;
	[sflag:s2] =	ssyncset.done $0x0  }
0xe8: {  	s6 =	simm.s32 @!p1 $0x14080;
	s29 =	rddreg [dreg:$0x7];
	[sflag:s2] =	ssyncadd.s32 $0xFFFFFFB0  }
0xe9: {  	[tilespmem:s0], [sflag:$0x5] =	stream.indirect.gather [hbm4b:s1+s8], $0x80, s7, s8, $0xb8;
	[tilespmem:$0x1E700] =	vst v63  }
0xea: {  	s12 =	simm.s32 @!p1 $0x0;
	s31 =	rddreg [dreg:$0x6];
	s29 =	sadd.s32 @!p1 s11, s29  }
0xeb: {  	[tilespmem:s6], [sflag:$0x2] =	stream.linear.gather @!p1 [hbm4b:s29+s12], $0x50, $0x38;
	[tilespmem:$0x1E700] =	vst v63  }
0xec: {  	s29 =	sadd.s32 @!p1 s11, s31;
	s31 =	simm.s32 @!p1 $0x14280  }
0xed: {  	[tilespmem:s31], [sflag:$0x2] =	stream.linear.gather @!p1 [hbm4b:s29+s12], $0x50, $0x38;
	[tilespmem:$0x1E700] =	vst v63  }
0xee: {  	_ = 	snop  }
0xef: {  	[spmem:s3] =	stream.indirect.scatter.add.f32 [tilespmem:s16], [sflag:$0x9], $0x80, s9, s8, $0xb8;
	[tilespmem:$0x1E700] =	vst v63  }
0xf0: {  	_ =	swait.ge [sflag:s24], $0x2800  }
0xf1: {  	[sflag:s24] =	ssyncset.done $0x0  }
0xf2: {  	[sflag:s24] =	ssyncadd.s32 $0xFFFFD800  }
0xf3: {  	[spmem:s4] =	stream.indirect.scatter.add.f32 [tilespmem:s25], [sflag:$0x9], $0x1, s9, s8, $0xb8;
	[tilespmem:$0x1E700] =	vst v63  }
0xf4: {  	_ =	swait.ge [sflag:s24], $0x50  }
0xf5: {  	[sflag:s24] =	ssyncset.done $0x0  }
0xf6: {  	[sflag:s24] =	ssyncadd.s32 $0xFFFFFFB0  }
0xf7: {  	_ =	swait.ge [sflag:s22], $0x2800  }
0xf8: {  	[sflag:s22] =	ssyncset.done $0x0  }
0xf9: {  	s29 =	simm.s32 @!p1 $0x2;
	[sflag:s22] =	ssyncadd.s32 $0xFFFFD800  }
0xfa: {  	_ =	swait.ge @!p1 [sflag:s29], $0x50  }
0xfb: {  	[sflag:s29] =	ssyncset.done @!p1 $0x0  }
0xfc: {  	[sflag:s29] =	ssyncadd.s32 @!p1 $0xFFFFFFB0  }
0xfd: {  	_ =	swait.ge @!p1 [sflag:s29], $0x50  }
0xfe: {  	s0 =	smov.u32 s26;
	s31 =	simm.s32 @!p1 $0x16C00;
	[sflag:s29] =	ssyncset.done @!p1 $0x0  }
0xff: {  	s7 =	rddreg [dreg:$0x9];
	[sflag:s29] =	ssyncadd.s32 @!p1 $0xFFFFFFB0;
	s29 =	simm.s32 @!p1 $0x50  }
0x100: {  	[tilespmem:s31], [sflag:$0x6] =	stream.indirect.gather @!p1 [hbm4b:s1+s29], $0x80, s6, s29, $0xb8;
	[tilespmem:$0x1E700] =	vst v63  }
0x101: {  	s26 =	rddreg [dreg:$0x8];
	s6 =	sadd.s32 @!p1 s11, s7;
	s7 =	simm.s32 @!p1 $0x14100  }
0x102: {  	[tilespmem:s7], [sflag:$0x3] =	stream.linear.gather @!p1 [hbm4b:s6+s12], $0x50, $0x38;
	[tilespmem:$0x1E700] =	vst v63  }
0x103: {  	s6 =	sadd.s32 @!p1 s11, s26;
	s7 =	simm.s32 @!p1 $0x14300  }
0x104: {  	[tilespmem:s7], [sflag:$0x3] =	stream.linear.gather @!p1 [hbm4b:s6+s12], $0x50, $0x38;
	[tilespmem:$0x1E700] =	vst v63  }
0x105: {  	s23 =	sadd.s32 $0x28, s23;
	s31 =	simm.s32 $0x1BC00  }
0x106: {  	[spmem:s3] =	stream.indirect.scatter.add.f32 [tilespmem:s31], [sflag:$0x9], $0x80, s17, s8, $0xb8;
	[tilespmem:$0x1E700] =	vst v63  }
0x107: {  	p0 =	sne.s32 s23, $0x4D8;
	_ =	swait.ge [sflag:s24], $0x2800  }
.Ltmp0:
0x108: {  	[sflag:s24] =	ssyncset.done $0x0;
	(pc) =	sbr.rel @p0 .LBB2_2-.Ltmp0, $4  }
0x109: {  	s15 =	simm.s32 $0x14400;
	s26 =	smov.u32 s0;
	[sflag:s24] =	ssyncadd.s32 $0xFFFFD800  }
0x10a: {  	[spmem:s4] =	stream.indirect.scatter.add.f32 [tilespmem:s25], [sflag:$0x9], $0x1, s17, s8, $0xb8;
	[tilespmem:$0x1E700] =	vst v63  }
0x10b: {  	s12 =	simm.s32 $0x14280;
	s7 =	simm.s32 $0x14000;
	_ =	swait.ge [sflag:s24], $0x50  }
0x10c: {  	s6 =	smov.u32 s30;
	s30 =	simm.s32 $0x14100;
	[sflag:s24] =	ssyncset.done $0x0  }
0x10d: {  	[sflag:s24] =	ssyncadd.s32 $0xFFFFFFB0  }
0x10e: {  	_ =	swait.ge [sflag:s13], $0x2800  }
0x10f: {  	[sflag:s13] =	ssyncset.done $0x0  }
0x110: {  	[sflag:s13] =	ssyncadd.s32 $0xFFFFD800  }
0x111: {  	[spmem:s3] =	stream.indirect.scatter.add.f32 [tilespmem:s15], [sflag:$0x9], $0x80, s28, s8, $0xb8;
	[tilespmem:$0x1E700] =	vst v63  }
0x112: {  	_ =	swait.ge [sflag:s24], $0x2800  }
0x113: {  	[sflag:s24] =	ssyncset.done $0x0  }
0x114: {  	[sflag:s24] =	ssyncadd.s32 $0xFFFFD800  }
0x115: {  	[spmem:s4] =	stream.indirect.scatter.add.f32 [tilespmem:s25], [sflag:$0x9], $0x1, s28, s8, $0xb8;
	[tilespmem:$0x1E700] =	vst v63  }
0x116: {  	_ =	swait.ge [sflag:s24], $0x50  }
0x117: {  	[sflag:s24] =	ssyncset.done $0x0  }
0x118: {  	[sflag:s24] =	ssyncadd.s32 $0xFFFFFFB0  }
0x119: {  	[bflag:$0x0] =	sbarrier.arrive $0xFFFF  }
0x11a: {  	s23 =	rddreg [dreg:$0xf]  }
0x11b: {  	s0 =	rddreg [dreg:$0x19]  }
0x11c: {  	s9 =	rddreg [dreg:$0x1d]  }
0x11d: {  	[hbm:s0], [sflag:s23] =	dma.local [spmem:s9], $0x2800  }
0x11e: {  	_ =	swait.ge [sflag:s24], $0x2800  }
0x11f: {  	s10 =	simm.s32 $0x10;
	[sflag:s24] =	ssyncset.done $0x0;
	s9 =	rddreg [dreg:$0x16]  }
0x120: {  	s15 =	simm.s32 $0x20;
	s11 =	rddreg [dreg:$0x1e];
	[sflag:s24] =	ssyncadd.s32 $0xFFFFD800  }
0x121: {  	[hbm:s9@s15], [sflag:s23] =	dma.strided [spmem:s11@s10], $0x50, s2, $0x10   }
0x122: {  	_ =	swait.ge [sflag:s24], $0x50  }
0x123: {  	s16 =	rddreg [dreg:$0x1c]  }
0x124: {  	s20 =	rddreg [dreg:$0x1a];
	s10 =	sadd.s32 $0x1, s16  }
0x125: {  	p0 =	sne.s32 s10, s20  }
.Ltmp1:
0x126: {  	_ = 	snop;
	(pc) =	sbr.rel @p0 .LBB2_1-.Ltmp1, $3  }
0x127: {  	_ =	sdelay $0x1  }
0x128: {  	s29 =	simm.s32 $0x16C00;
	s9 =	simm.s32 $0x14300;
	[sflag:s24] =	ssyncset.done $0x0  }
0x129: {  	[sflag:s24] =	ssyncadd.s32 $0xFFFFFFB0;
	s16 =	simm.s32 $0x19400;
	s20 =	simm.s32 $0x14180  }
0x12a: {  	_ =	sfence.sel $0x180000  }
0x12b: {  	[bflag:$0x0] =	sbarrier.arrive $0xFFFF  }
0x12c: {  	_ =	strace $0x90000047  }
0x12d: {  	s0 =	stileid.u32;
	[bflag:$0x2] =	sbarrier.arrive $0xFFFF  }
0x12e: {  	p0 =	sne.s32 s0, $0x0;
	s0 =	rddreg [dreg:$0x5]  }
0x12f: {  	s0 =	sadd.s32 @!p0 $0x100000, s0  }
0x130: {  	[sflag:s0] =	ssyncadd.tile.s32 @!p0 $0x1;
	_ =	shalt  }
.Lfunc_end2:
_tile_overlayer_lowered:
.L_overlay_start_2:
0x131: {  	(tag) =	ssettag $0x2  }
0x132: {  	s0 =	rddreg [dreg:$0x0];
	s2 =	stileid.u32  }
0x133: {  	s1 =	rddreg [dreg:$0x1];
	p0 =	sne.s32 s2, $0x0  }
0x134: {  	s3 =	rddreg [dreg:$0x2];
	[bflag:$0x3] =	sbarrier.arrive $0xFFFF;
	s2 =	simm.s32 @!p0 $0x1C09  }
0x135: {  	[timem:s3], [sflag:s2] =	dma.local @!p0 [hbm:s0], s1  }
0x136: {  	s0 =	simm.s32 @!p0 $0x9  }
0x137: {  	_ =	swait.ge @!p0 [sflag:s0], s1  }
0x138: {  	s1 =	ssub.s32 @!p0 $0x0, s1;
	[sflag:s0] =	ssyncset.done @!p0 $0x0  }
0x139: {  	[sflag:s0] =	ssyncadd.s32 @!p0 s1  }
0x13a: {  	[bflag:$0x3] =	sbarrier.arrive $0xFFFF  }
0x13b: {  	_ =	shalt  }

// kernel: kernel.9.cloned.1.call-start
scs
__scs_entry_jumppad:
0x0: {  	(pc) =	sbr.rel $0x88, $3  }
0x1: {  	(tag) =	ssettag $0x0;
	lr =	simm.s32 $0x1  }
0x2: {  	[smem:$0x3F9F] =	sst lr;
	_ =	strace $0xD0000000  }
0x3: {  	_ = 	snop  }
0x4: {  	_ = 	snop  }
0x5: {  	_ = 	snop  }
0x6: {  	_ = 	snop  }
0x7: {  	_ = 	snop  }
__scs_overlays_trampoline_lowered:
0x8: {  	[smem:$0x3FAE] =	sst s0  }
0x9: {  	[smem:$0x3FAF] =	sst s1  }
0xa: {  	[smem:$0x3FB0] =	sst s2  }
0xb: {  	[smem:$0x3FB1] =	sst s3  }
0xc: {  	[smem:$0x3FB2] =	sst s4  }
0xd: {  	[smem:$0x3FB3] =	sst s5  }
0xe: {  	[smem:$0x3FB4] =	sst s6  }
0xf: {  	[smem:$0x3FB5] =	sst s7  }
0x10: {  	[smem:$0x3FB6] =	sst s8  }
0x11: {  	[smem:$0x3FB7] =	sst s9;
	s0 =	simm.s32 @!p0 $0x0  }
0x12: {  	s1 =	sld [smem:$0x3F9D];
	s0 =	simm.s32 @p0 $0x1  }
0x13: {  	[smem:$0x3FB8] =	sst s0;
	s0 =	simm.s32 @!p1 $0x0  }
0x14: {  	s2 =	sld [smem:$0x3F9C];
	s0 =	simm.s32 @p1 $0x1  }
0x15: {  	[smem:$0x3FB9] =	sst s0;
	s0 =	simm.s32 @!p2 $0x0  }
0x16: {  	s3 =	sld [smem:$0x3FDB];
	s0 =	simm.s32 @p2 $0x1  }
0x17: {  	s4 =	simm.s32 $0x1BF5;
	[smem:$0x3FBB] =	sst s0  }
0x18: {  	s0 =	sld [smem:$0x3F9E];
	_ =	swait.ge [sflag:s4], $0x0  }
0x19: {  	s7 =	sld [smem:$0x3F9F]  }
0x1a: {  	s8 =	sadd.s32 $0xFFFFE003, lr  }
0x1b: {  	s9 =	sadd.s32 $0xFFFFFEF7, lr;
	s5 =	simm.s32 $0xFFFFFFFF;
	p2 =	slt.u32 s8, $0xFFFFF086  }
0x1c: {  	p1 =	slt.u32 s9, $0xF7A;
	s5 =	simm.s32 @!p2 $0x0  }
0x1d: {  	s5 =	simm.s32 @p1 $0x1;
	p0 =	seq.s32 s7, s2  }
0x1e: {  	s7 =	smul.u32 @!p0 $0xF7A, s2;
	p2 =	seq.s32 @!p0 s5, $0x0  }
0x1f: {  	s9 =	smul.u32 $0xF7A, s1;
	s8 =	simm.s32 @!p0 $0x1BF5;
	p2 =	por !p2, p0  }
0x20: {  	[sflag:s8] =	ssyncset.s32 @!p0 $0xFFFFF086;
	s6 =	sadd.s32 @!p0 s3, s7;
	s7 =	simm.s32 @!p0 $0x108  }
0x21: {  	s3 =	sadd.s32 s3, s9;
	s6 =	sadd.s32 @!p0 $0x88, s6;
	s7 =	simm.s32 @p2 $0x1082  }
0x22: {  	[simem:s7], [sflag:s8] =	dma.local @!p0 [hbm:s6], $0xF7A  }
0x23: {  	s9 =	sor.u32 $0xD0000000, s2;
	s6 =	simm.s32 $0x108;
	_ =	swait.ge @!p0 [sflag:s8], $0x0  }
0x24: {  	s3 =	sadd.s32 $0x88, s3;
	s6 =	simm.s32 @!p1 $0x1082;
	[sflag:s4] =	ssyncset.s32 $0xFFFFF086  }
0x25: {  	[simem:s6], [sflag:s4] =	dma.local [hbm:s3], $0xF7A  }
0x26: {  	[smem:$0x3F9F] =	sst s1;
	(tag) =	ssettag s2;
	_ =	strace s9  }
0x27: {  	s1 =	sld [smem:$0x3FAF]  }
0x28: {  	s2 =	sld [smem:$0x3FB0]  }
0x29: {  	s4 =	sld [smem:$0x3FB2]  }
0x2a: {  	p0 =	seq.s32 s5, $0x0;
	s5 =	sld [smem:$0x3FB3]  }
0x2b: {  	s6 =	sld [smem:$0x3FB4]  }
0x2c: {  	s7 =	sld [smem:$0x3FB5]  }
0x2d: {  	s3 =	simm.s32 $0x108;
	s8 =	sld [smem:$0x3FB6]  }
0x2e: {  	s3 =	simm.s32 @!p0 $0x1082;
	s9 =	sld [smem:$0x3FB7]  }
0x2f: {  	lr =	sadd.s32 s0, s3;
	s0 =	sld [smem:$0x3FAE]  }
0x30: {  	s3 =	sld [smem:$0x3FB1]  }
0x31: {  	[smem:$0x3FBA] =	sst s10  }
0x32: {  	s10 =	sld [smem:$0x3FB8];
	_ =	sdelay $0x3  }
0x33: {  	p0 =	seq.s32 s10, $0x1;
	s10 =	sld [smem:$0x3FBA];
	_ =	sdelay $0x3  }
0x34: {  	[smem:$0x3FBA] =	sst s10  }
0x35: {  	s10 =	sld [smem:$0x3FB9];
	_ =	sdelay $0x3  }
0x36: {  	p1 =	seq.s32 s10, $0x1;
	s10 =	sld [smem:$0x3FBA];
	_ =	sdelay $0x3  }
0x37: {  	[smem:$0x3FBA] =	sst s10  }
0x38: {  	s10 =	sld [smem:$0x3FBB]  }
0x39: {  	_ = 	snop;
	(pc) =	sbr.ind lr, $3  }
0x3a: {  	_ = 	snop  }
0x3b: {  	_ = 	snop  }
0x3c: {  	p2 =	seq.s32 s10, $0x1;
	s10 =	sld [smem:$0x3FBA]  }
0x3d: {  	_ =	shalt  }
0x3e: {  	_ =	shalt  }
0x3f: {  	_ =	shalt  }
0x40: {  	_ =	shalt  }
0x41: {  	_ =	shalt  }
0x42: {  	_ =	shalt  }
0x43: {  	_ =	shalt  }
0x44: {  	_ =	shalt  }
0x45: {  	_ =	shalt  }
0x46: {  	_ =	shalt  }
0x47: {  	_ =	shalt  }
0x48: {  	_ =	shalt  }
0x49: {  	_ =	shalt  }
0x4a: {  	_ =	shalt  }
0x4b: {  	_ =	shalt  }
0x4c: {  	_ =	shalt  }
0x4d: {  	_ =	shalt  }
0x4e: {  	_ =	shalt  }
0x4f: {  	_ =	shalt  }
0x50: {  	_ =	shalt  }
0x51: {  	_ =	shalt  }
0x52: {  	_ =	shalt  }
0x53: {  	_ =	shalt  }
0x54: {  	_ =	shalt  }
0x55: {  	_ =	shalt  }
0x56: {  	_ =	shalt  }
0x57: {  	_ =	shalt  }
0x58: {  	_ =	shalt  }
0x59: {  	_ =	shalt  }
0x5a: {  	_ =	shalt  }
0x5b: {  	_ =	shalt  }
0x5c: {  	_ =	shalt  }
0x5d: {  	_ =	shalt  }
0x5e: {  	_ =	shalt  }
0x5f: {  	_ =	shalt  }
0x60: {  	_ =	shalt  }
0x61: {  	_ =	shalt  }
0x62: {  	_ =	shalt  }
0x63: {  	_ =	shalt  }
0x64: {  	_ =	shalt  }
0x65: {  	_ =	shalt  }
0x66: {  	_ =	shalt  }
0x67: {  	_ =	shalt  }
0x68: {  	_ =	shalt  }
0x69: {  	_ =	shalt  }
0x6a: {  	_ =	shalt  }
0x6b: {  	_ =	shalt  }
0x6c: {  	_ =	shalt  }
0x6d: {  	_ =	shalt  }
0x6e: {  	_ =	shalt  }
0x6f: {  	_ =	shalt  }
0x70: {  	_ =	shalt  }
0x71: {  	_ =	shalt  }
0x72: {  	_ =	shalt  }
0x73: {  	_ =	shalt  }
0x74: {  	_ =	shalt  }
0x75: {  	_ =	shalt  }
0x76: {  	_ =	shalt  }
0x77: {  	_ =	shalt  }
0x78: {  	_ =	shalt  }
0x79: {  	_ =	shalt  }
0x7a: {  	_ =	shalt  }
0x7b: {  	_ =	shalt  }
0x7c: {  	_ =	shalt  }
0x7d: {  	_ =	shalt  }
0x7e: {  	_ =	shalt  }
0x7f: {  	_ =	shalt  }
0x80: {  	_ =	shalt  }
0x81: {  	_ =	shalt  }
0x82: {  	_ =	shalt  }
0x83: {  	_ =	shalt  }
0x84: {  	_ =	shalt  }
0x85: {  	_ =	shalt  }
0x86: {  	_ =	shalt  }
0x87: {  	_ =	shalt  }
.Lfunc_end0:
.L_simem_size_0:
called_computation.1_lowered:
.L_overlay_start_0:
0x88: {  	s2 =	sld [smem:$0x3FD9]  }
0x89: {  	s3 =	sld [smem:$0x3FFE];
	_ =	sdelay $0x1  }
0x8a: {  	s1 =	srdreg.scid  }
0x8b: {  	s0 =	sand.u32 $0x1, s1  }
0x8c: {  	s17 =	sshll.u32 s0, $0xA;
	s2 =	sadd.s32 s3, s2  }
0x8d: {  	s2 =	sadd.s32 s2, s17  }
0x8e: {  	[smem:$0x3FC6] =	sst s2  }
0x8f: {  	_ = 	snop  }
0x90: {  	s2 =	sld [smem:$0x3FD0];
	(tm) =	ssettm $0x1  }
0x91: {  	s18 =	sld [smem:$0x3FFB];
	_ =	sdelay $0x3  }
0x92: {  	_ =	strace s18  }
0x93: {  	s3 =	sld [smem:$0x3FFC];
	_ =	sdelay $0x3  }
0x94: {  	_ =	strace s3  }
0x95: {  	s3 =	sld [smem:$0x3FFD];
	_ =	sdelay $0x3  }
0x96: {  	_ =	strace s3  }
0x97: {  	_ =	strace $0x8FFFFFFF  }
0x98: {  	s19 =	sld [smem:$0x3FDB];
	_ =	sdelay $0x1  }
0x99: {  	s4 =	simm.s32 $_scs_section_size  }
0x9a: {  	s5 =	simm.s32 $_size__tile_overlayer_lowered;
	s6 =	simm.s32 $_tile_overlayer_lowered  }
0x9b: {  	s22 =	simm.s32 $0x1BFF;
	s21 =	sshll.u32 s6, $0x1;
	s3 =	sadd.s32 s4, s19  }
0x9c: {  	s7 =	simm.s32 $0x0;
	s20 =	sshll.u32 s5, $0x1;
	s5 =	sadd.s32 s21, s3  }
0x9d: {  	[timem:s7], [sflag:s22] =	dma.local [hbm:s5], s20  }
0x9e: {  	_ =	swait.ge [sflag:s22], s20  }
0x9f: {  	s4 =	ssub.s32 $0x0, s20;
	[sflag:s22] =	ssyncset.done $0x0  }
0xa0: {  	[sflag:s22] =	ssyncadd.s32 s4;
	_ =	sdelay $0x1  }
0xa1: {  	s23 =	simm.s32 $0x1B8B  }
0xa2: {  	_ =	swait.ge [sflag:s23], $0x1  }
0xa3: {  	[sflag:s23] =	ssyncset.done $0x0  }
0xa4: {  	s25 =	simm.s32 $0x1B8E;
	s24 =	sld [smem:$0x3FFE];
	[sflag:s23] =	ssyncadd.s32 $0xFFFFFFFF  }
0xa5: {  	s26 =	simm.s32 $execute0_lowered;
	[smem:$0x3FD2] =	sst s25  }
0xa6: {  	s5 =	sshll.u32 s26, $0x1;
	_ =	strace $0x80000049;
	[dreg:$0x1] =	wrdreg $0xFFFFFFFF  }
0xa7: {  	s28 =	simm.s32 $_size_execute0_lowered;
	s3 =	sadd.s32 s3, s5;
	[dreg:$0x0] =	wrdreg $0x0  }
0xa8: {  	s5 =	sshll.u32 s28, $0x1;
	[dreg:$0x2] =	wrdreg s3  }
0xa9: {  	[dreg:$0x3] =	wrdreg s5  }
0xaa: {  	[dreg:$0x4] =	wrdreg $0xC0  }
0xab: {  	_ =	task [dreg:s7], $0x5FFFF  }
0xac: {  	[dreg:$0x1] =	wrdreg $0xFFFFFFFF  }
0xad: {  	[dreg:$0x0] =	wrdreg $0x60  }
0xae: {  	[dreg:$0x2] =	wrdreg s2  }
0xaf: {  	[dreg:$0x3] =	wrdreg s24  }
0xb0: {  	[dreg:$0x4] =	wrdreg $0x0  }
0xb1: {  	[dreg:$0x5] =	wrdreg $0x9  }
0xb2: {  	_ =	task.clear_ibuf [dreg:s7], $0x6FFFF;
	_ =	strace $0x90000049  }
0xb3: {  	s29 =	simm.s32 $0x9;
	_ =	strace $0x8000004B  }
0xb4: {  	_ =	swait.ge [sflag:s29], $0x1  }
0xb5: {  	[sflag:s29] =	ssyncadd.s32 $0xFFFFFFFF  }
0xb6: {  	_ =	strace $0x9000004B  }
0xb7: {  	_ =	sfence  }
0xb8: {  	s30 =	sld [smem:$0x0];
	_ =	sdelay $0x2  }
0xb9: {  	s31 =	sshll.u32 s1, $0xD;
	s1 =	sshrl.u32 s1, $0x2  }
0xba: {  	s3 =	sand.u32 $0x4000, s31;
	s1 =	sadd.s32 s1, s30  }
0xbb: {  	s0 =	sor.u32 s3, s0;
	s1 =	sshll.u32 s1, $0x11  }
0xbc: {  	s0 =	sor.u32 s1, s0  }
0xbd: {  	s0 =	sadd.s32 $0x8F2B, s0  }
0xbe: {  	[sflag:s0] =	ssyncadd.remote.s32 $0x1  }
0xbf: {  	_ =	sfence.sel $0xFFFF  }
0xc0: {  	[dreg:$0x0] =	wrdreg $0xFFFFFFFF;
	(pc) =	sbr.abs _section_cstart, $3  }
0xc1: {  	[dreg:$0x1] =	wrdreg $0xFFFFFFFF  }
0xc2: {  	_ =	task.clear_ibuf [dreg:s7], $0x2FFFF;
	_ =	strace $0x9FFFFFFF  }
0xc3: {  	(tm) =	ssettm $0x7FFFFFFF  }
tec
execute0_lowered:
.L_overlay_start_1:
0x0: {  	(tag) =	ssettag $0x1  }
0x1: {  	s2 =	rddreg [dreg:$0x0]  }
0x2: {  	s0 =	rddreg [dreg:$0x1]  }
0x3: {  	s3 =	rddreg [dreg:$0x2]  }
0x4: {  	s12 =	stileid.u32;
	s1 =	srdreg.scid  }
0x5: {  	s4 =	simm.s32 $0x0;
	s28 =	simm.s32 $0x50;
	s6 =	smul.u32 $0x14000, s12  }
0x6: {  	s29 =	simm.s32 $0x14400;
	s31 =	simm.s32 $0x16C00;
	s10 =	smul.u32 $0x50000, s12  }
0x7: {  	s1 =	sand.u32 $0x1, s1;
	[smem:$0x7FF] =	sst s4;
	s23 =	smul.u32 $0x2710, s12  }
0x8: {  	s5 =	sadd.s32 $0xB400, s0;
	s22 =	sshll.u32 s12, $0x6;
	s7 =	smul.u32 $0x140000, s1  }
0x9: {  	_ =	strace $0x8000004A;
	s9 =	ssub.s32 $0x2, s1;
	s11 =	sshll.u32 s1, $0x4  }
0xa: {  	s1 =	smul.u32 $0x27100, s1;
	s13 =	sor.u32 $0x1C09, s22;
	s8 =	sshrl.u32 s6, $0x3  }
0xb: {  	s19 =	sshrl.u32 s9, $0x1;
	s11 =	sor.u32 s12, s11;
	s20 =	sshrl.u32 s10, $0x2  }
0xc: {  	[dreg:$0xd] =	wrdreg s13;
	s7 =	sadd.s32 s6, s7;
	s6 =	sadd.s32 $0x1600, s0  }
0xd: {  	s8 =	sadd.s32 s8, s0;
	s21 =	smul.u32 $0x2710, s11;
	s1 =	sadd.s32 s23, s1  }
0xe: {  	s7 =	sshrl.u32 s7, $0x3;
	s8 =	sadd.s32 $0x15A00, s8;
	s14 =	sadd.s32 $0x190, s1  }
0xf: {  	s18 =	sadd.s32 $0x1E0, s1;
	s22 =	sadd.s32 $0xF0, s1;
	s1 =	sadd.s32 $0x140, s1  }
0x10: {  	s0 =	sadd.s32 s7, s0;
	s7 =	ssub.s32 s9, s19;
	[dreg:$0xc] =	wrdreg s8  }
0x11: {  	s9 =	sadd.s32 s20, s3;
	s10 =	sshrl.u32 s21, $0x3;
	[dreg:$0x16] =	wrdreg s1  }
0x12: {  	s11 =	simm.s32 $0x1BC00;
	[dreg:$0xb] =	wrdreg s9;
	s24 =	sadd.s32 s5, s10  }
0x13: {  	s16 =	sshrl.u32 s14, $0x3;
	s26 =	sadd.s32 s6, s10;
	[dreg:$0xe] =	wrdreg s24  }
0x14: {  	s20 =	sshrl.u32 s18, $0x3;
	s0 =	sadd.s32 $0x3DA00, s0;
	[dreg:$0xf] =	wrdreg s26  }
0x15: {  	s14 =	simm.s32 $0x14280;
	s17 =	sadd.s32 s16, s6;
	[dreg:$0x14] =	wrdreg s0  }
0x16: {  	s1 =	simm.s32 $0x3;
	s19 =	sadd.s32 s16, s5;
	[dreg:$0x4] =	wrdreg s17  }
0x17: {  	s25 =	sadd.s32 $0xA, s10;
	s21 =	sadd.s32 s20, s6;
	[dreg:$0x5] =	wrdreg s19  }
0x18: {  	s12 =	sadd.s32 $0x14, s10;
	s7 =	smax.u32 s7, $0x1;
	[dreg:$0x6] =	wrdreg s21  }
0x19: {  	s23 =	sadd.s32 s20, s5;
	s20 =	simm.s32 $0x14000;
	[dreg:$0x15] =	wrdreg s7  }
0x1a: {  	s10 =	simm.s32 $0x4;
	s30 =	sadd.s32 s5, s25;
	[dreg:$0x7] =	wrdreg s23  }
0x1b: {  	s8 =	sadd.s32 s6, s25;
	s15 =	sadd.s32 s5, s12;
	[dreg:$0x10] =	wrdreg s30  }
0x1c: {  	s24 =	sshrl.u32 s22, $0x3;
	s19 =	simm.s32 $0x9;
	[dreg:$0x11] =	wrdreg s8  }
0x1d: {  	s21 =	simm.s32 $0x14200;
	[dreg:$0x12] =	wrdreg s15;
	s8 =	sadd.s32 s6, s12  }
0x1e: {  	s0 =	simm.s32 $0x5;
	s25 =	sadd.s32 s24, s6;
	[dreg:$0x13] =	wrdreg s8  }
0x1f: {  	s7 =	simm.s32 $0x14380;
	s26 =	sadd.s32 s24, s5;
	[dreg:$0x8] =	wrdreg s25  }
0x20: {  	s30 =	simm.s32 $0x19400;
	s24 =	simm.s32 $0x14100;
	[dreg:$0x9] =	wrdreg s26  }
0x21: {  	s12 =	simm.s32 $0x7;
	s15 =	simm.s32 $0x0;
	[dreg:$0xa] =	wrdreg s30  }
0x22: {  	s26 =	simm.s32 $0x1;
	s25 =	simm.s32 $0x14180;
	s8 =	simm.s32 $0x6  }
.LBB2_1:
0x23: {  	[dreg:$0x17] =	wrdreg s15  }
0x24: {  	s9 =	rddreg [dreg:$0xb]  }
0x25: {  	s30 =	rddreg [dreg:$0xc];
	s23 =	sshrl.u32 s9, $0x3  }
0x26: {  	[dreg:$0x18] =	wrdreg s23  }
0x27: {  	[spmem:s23], [sflag:s13] =	dma.local [hbm:s30], $0x2800  }
0x28: {  	_ =	swait.ge [sflag:s19], $0x2800  }
0x29: {  	[sflag:s19] =	ssyncset.done $0x0  }
0x2a: {  	[sflag:s19] =	ssyncadd.s32 $0xFFFFD800  }
0x2b: {  	[bflag:$0x0] =	sbarrier.arrive $0xFFFF  }
0x2c: {  	s13 =	rddreg [dreg:$0xe]  }
0x2d: {  	[tilespmem:s20], [sflag:$0x1] =	stream.linear.gather [hbm4b:s13+s4], $0x50, $0x38;
	[tilespmem:$0x1E400] =	vst v63  }
0x2e: {  	s15 =	rddreg [dreg:$0xf]  }
0x2f: {  	[tilespmem:s21], [sflag:$0x1] =	stream.linear.gather [hbm4b:s15+s4], $0x50, $0x38;
	[tilespmem:$0x1E400] =	vst v63  }
0x30: {  	s17 =	simm.s32 $0x14080;
	s16 =	rddreg [dreg:$0x10]  }
0x31: {  	[tilespmem:s17], [sflag:$0x2] =	stream.linear.gather [hbm4b:s16+s4], $0x50, $0x38;
	[tilespmem:$0x1E400] =	vst v63  }
0x32: {  	s18 =	rddreg [dreg:$0x11]  }
0x33: {  	[tilespmem:s14], [sflag:$0x2] =	stream.linear.gather [hbm4b:s18+s4], $0x50, $0x38;
	[tilespmem:$0x1E400] =	vst v63  }
0x34: {  	s22 =	rddreg [dreg:$0x12]  }
0x35: {  	[tilespmem:s24], [sflag:$0x3] =	stream.linear.gather [hbm4b:s22+s4], $0x50, $0x38;
	[tilespmem:$0x1E400] =	vst v63  }
0x36: {  	s30 =	simm.s32 $0x14300;
	s23 =	rddreg [dreg:$0x13]  }
0x37: {  	[tilespmem:s30], [sflag:$0x3] =	stream.linear.gather [hbm4b:s23+s4], $0x50, $0x38;
	[tilespmem:$0x1E400] =	vst v63  }
0x38: {  	_ =	swait.ge [sflag:s26], $0x50  }
0x39: {  	[sflag:s26] =	ssyncset.done $0x0  }
0x3a: {  	[sflag:s26] =	ssyncadd.s32 $0xFFFFFFB0  }
0x3b: {  	_ =	swait.ge [sflag:s26], $0x50  }
0x3c: {  	[sflag:s26] =	ssyncset.done $0x0  }
0x3d: {  	s15 =	simm.s32 $0x2;
	[sflag:s26] =	ssyncadd.s32 $0xFFFFFFB0  }
0x3e: {  	[tilespmem:s29], [sflag:$0x5] =	stream.indirect.gather [hbm4b:s2+s28], $0x80, s20, s28, $0xb8;
	[tilespmem:$0x1E400] =	vst v63  }
0x3f: {  	_ =	swait.ge [sflag:s15], $0x50  }
0x40: {  	[sflag:s15] =	ssyncset.done $0x0  }
0x41: {  	[sflag:s15] =	ssyncadd.s32 $0xFFFFFFB0  }
0x42: {  	_ =	swait.ge [sflag:s15], $0x50  }
0x43: {  	[sflag:s15] =	ssyncset.done $0x0  }
0x44: {  	[sflag:s15] =	ssyncadd.s32 $0xFFFFFFB0  }
0x45: {  	[tilespmem:s31], [sflag:$0x6] =	stream.indirect.gather [hbm4b:s2+s28], $0x80, s17, s28, $0xb8;
	[tilespmem:$0x1E400] =	vst v63  }
0x46: {  	_ =	swait.ge [sflag:s0], $0x2800  }
0x47: {  	[sflag:s0] =	ssyncset.done $0x0  }
0x48: {  	[sflag:s0] =	ssyncadd.s32 $0xFFFFD800  }
0x49: {  	_ =	swait.ge [sflag:s1], $0x50  }
0x4a: {  	[sflag:s1] =	ssyncset.done $0x0  }
0x4b: {  	[sflag:s1] =	ssyncadd.s32 $0xFFFFFFB0  }
0x4c: {  	_ =	swait.ge [sflag:s1], $0x50  }
0x4d: {  	s16 =	rddreg [dreg:$0xa];
	[sflag:s1] =	ssyncset.done $0x0  }
0x4e: {  	s17 =	rddreg [dreg:$0x9];
	[sflag:s1] =	ssyncadd.s32 $0xFFFFFFB0  }
0x4f: {  	[tilespmem:s16], [sflag:$0x7] =	stream.indirect.gather [hbm4b:s2+s28], $0x80, s24, s28, $0xb8;
	[tilespmem:$0x1E400] =	vst v63  }
0x50: {  	s18 =	rddreg [dreg:$0x8];
	s17 =	sadd.s32 $0x0, s17  }
0x51: {  	[tilespmem:s25], [sflag:$0x4] =	stream.linear.gather [hbm4b:s17+s4], $0x50, $0x38;
	[tilespmem:$0x1E400] =	vst v63  }
0x52: {  	s22 =	sadd.s32 $0x0, s18  }
0x53: {  	[tilespmem:s7], [sflag:$0x4] =	stream.linear.gather [hbm4b:s22+s4], $0x50, $0x38;
	[tilespmem:$0x1E400] =	vst v63  }
0x54: {  	_ = 	snop  }
0x55: {  	[spmem:s3] =	stream.indirect.scatter.add.f32 [tilespmem:s29], [sflag:$0x9], $0x80, s21, s28, $0xb8;
	[tilespmem:$0x1E400] =	vst v63  }
0x56: {  	_ =	swait.ge [sflag:s19], $0x2800  }
0x57: {  	[sflag:s19] =	ssyncset.done $0x0  }
0x58: {  	[sflag:s19] =	ssyncadd.s32 $0xFFFFD800  }
0x59: {  	_ =	swait.ge [sflag:s8], $0x2800  }
0x5a: {  	[sflag:s8] =	ssyncset.done $0x0  }
0x5b: {  	[sflag:s8] =	ssyncadd.s32 $0xFFFFD800  }
0x5c: {  	_ =	swait.ge [sflag:s10], $0x50  }
0x5d: {  	[sflag:s10] =	ssyncset.done $0x0  }
0x5e: {  	[sflag:s10] =	ssyncadd.s32 $0xFFFFFFB0  }
0x5f: {  	_ =	swait.ge [sflag:s10], $0x50  }
0x60: {  	[sflag:s10] =	ssyncset.done $0x0;
	s13 =	rddreg [dreg:$0x16]  }
0x61: {  	[sflag:s10] =	ssyncadd.s32 $0xFFFFFFB0;
	s23 =	sshrl.u32 s13, $0x3  }
0x62: {  	[tilespmem:s11], [sflag:$0x8] =	stream.indirect.gather [hbm4b:s2+s28], $0x80, s25, s28, $0xb8;
	[tilespmem:$0x1E400] =	vst v63  }
0x63: {  	s30 =	sadd.s32 s5, s23  }
0x64: {  	[tilespmem:s20], [sflag:$0x1] =	stream.linear.gather [hbm4b:s30+s4], $0x50, $0x38;
	[tilespmem:$0x1E400] =	vst v63  }
0x65: {  	s15 =	sadd.s32 s6, s23  }
0x66: {  	[tilespmem:s21], [sflag:$0x1] =	stream.linear.gather [hbm4b:s15+s4], $0x50, $0x38;
	[tilespmem:$0x1E400] =	vst v63  }
0x67: {  	_ = 	snop  }
0x68: {  	[spmem:s3] =	stream.indirect.scatter.add.f32 [tilespmem:s31], [sflag:$0x9], $0x80, s14, s28, $0xb8;
	[tilespmem:$0x1E400] =	vst v63  }
0x69: {  	_ =	swait.ge [sflag:s19], $0x2800  }
0x6a: {  	[sflag:s19] =	ssyncset.done $0x0  }
0x6b: {  	[sflag:s19] =	ssyncadd.s32 $0xFFFFD800  }
0x6c: {  	_ =	swait.ge [sflag:s12], $0x2800  }
0x6d: {  	[sflag:s12] =	ssyncset.done $0x0  }
0x6e: {  	[sflag:s12] =	ssyncadd.s32 $0xFFFFD800  }
0x6f: {  	_ =	swait.ge [sflag:s26], $0x50  }
0x70: {  	[sflag:s26] =	ssyncset.done $0x0  }
0x71: {  	[sflag:s26] =	ssyncadd.s32 $0xFFFFFFB0  }
0x72: {  	_ =	swait.ge [sflag:s26], $0x50  }
0x73: {  	p0 =	por $0x1, $0x1;
	[sflag:s26] =	ssyncset.done $0x0  }
0x74: {  	s18 =	simm.s32 @p0 $0x0;
	s15 =	rddreg [dreg:$0x5];
	[sflag:s26] =	ssyncadd.s32 $0xFFFFFFB0  }
0x75: {  	[tilespmem:s29], [sflag:$0x5] =	stream.indirect.gather [hbm4b:s2+s28], $0x80, s20, s28, $0xb8;
	[tilespmem:$0x1E400] =	vst v63  }
0x76: {  	s22 =	simm.s32 @p0 $0x14080;
	s17 =	rddreg [dreg:$0x4];
	s15 =	sadd.s32 @p0 $0x0, s15  }
0x77: {  	[tilespmem:s22], [sflag:$0x2] =	stream.linear.gather @p0 [hbm4b:s15+s18], $0x50, $0x38;
	[tilespmem:$0x1E400] =	vst v63  }
0x78: {  	s9 =	simm.s32 @p0 $0x9;
	s15 =	sadd.s32 @p0 $0x0, s17;
	s17 =	simm.s32 @p0 $0x14280  }
0x79: {  	[tilespmem:s17], [sflag:$0x2] =	stream.linear.gather @p0 [hbm4b:s15+s18], $0x50, $0x38;
	[tilespmem:$0x1E400] =	vst v63  }
0x7a: {  	s16 =	simm.s32 @p0 $0x19400;
	s15 =	simm.s32 @p0 $0x50;
	s17 =	simm.s32 @p0 $0x14300  }
0x7b: {  	[spmem:s3] =	stream.indirect.scatter.add.f32 @p0 [tilespmem:s16], [sflag:$0x9], $0x80, s17, s15, $0xb8;
	[tilespmem:$0x1E400] =	vst v63  }
0x7c: {  	_ =	swait.ge @p0 [sflag:s9], $0x2800  }
0x7d: {  	[sflag:s9] =	ssyncset.done @p0 $0x0  }
0x7e: {  	[sflag:s9] =	ssyncadd.s32 @p0 $0xFFFFD800;
	s9 =	simm.s32 @p0 $0x8  }
0x7f: {  	_ =	swait.ge @p0 [sflag:s9], $0x2800  }
0x80: {  	[sflag:s9] =	ssyncset.done @p0 $0x0  }
0x81: {  	[sflag:s9] =	ssyncadd.s32 @p0 $0xFFFFD800;
	s9 =	simm.s32 @p0 $0x2  }
0x82: {  	_ =	swait.ge @p0 [sflag:s9], $0x50  }
0x83: {  	[sflag:s9] =	ssyncset.done @p0 $0x0  }
0x84: {  	[sflag:s9] =	ssyncadd.s32 @p0 $0xFFFFFFB0  }
0x85: {  	_ =	swait.ge @p0 [sflag:s9], $0x50  }
0x86: {  	[sflag:s9] =	ssyncset.done @p0 $0x0  }
0x87: {  	s16 =	rddreg [dreg:$0x7];
	[sflag:s9] =	ssyncadd.s32 @p0 $0xFFFFFFB0;
	s9 =	simm.s32 @p0 $0x16C00  }
0x88: {  	[tilespmem:s9], [sflag:$0x6] =	stream.indirect.gather @p0 [hbm4b:s2+s15], $0x80, s22, s15, $0xb8;
	[tilespmem:$0x1E400] =	vst v63  }
0x89: {  	s9 =	rddreg [dreg:$0x6];
	s15 =	sadd.s32 @p0 $0x0, s16;
	s16 =	simm.s32 @p0 $0x14100  }
0x8a: {  	[tilespmem:s16], [sflag:$0x3] =	stream.linear.gather @p0 [hbm4b:s15+s18], $0x50, $0x38;
	[tilespmem:$0x1E400] =	vst v63  }
0x8b: {  	s9 =	sadd.s32 @p0 $0x0, s9  }
0x8c: {  	[tilespmem:s17], [sflag:$0x3] =	stream.linear.gather @p0 [hbm4b:s9+s18], $0x50, $0x38;
	[tilespmem:$0x1E400] =	vst v63  }
0x8d: {  	s15 =	simm.s32 @!p0 $0x14300;
	s16 =	simm.s32 @!p0 $0x19400;
	s9 =	simm.s32 @!p0 $0x50  }
0x8e: {  	[spmem:s3] =	stream.indirect.scatter.add.f32 @!p0 [tilespmem:s16], [sflag:$0x9], $0x80, s15, s9, $0xb8;
	[tilespmem:$0x1E400] =	vst v63  }
0x8f: {  	s9 =	simm.s32 @!p0 $0x9  }
0x90: {  	_ =	swait.ge @!p0 [sflag:s9], $0x2800  }
0x91: {  	[sflag:s9] =	ssyncset.done @!p0 $0x0  }
0x92: {  	[sflag:s9] =	ssyncadd.s32 @!p0 $0xFFFFD800;
	s9 =	simm.s32 @!p0 $0x8  }
0x93: {  	_ =	swait.ge @!p0 [sflag:s9], $0x2800  }
0x94: {  	[sflag:s9] =	ssyncset.done @!p0 $0x0  }
0x95: {  	[sflag:s9] =	ssyncadd.s32 @!p0 $0xFFFFD800  }
0x96: {  	[spmem:s3] =	stream.indirect.scatter.add.f32 [tilespmem:s11], [sflag:$0x9], $0x80, s7, s28, $0xb8;
	[tilespmem:$0x1E400] =	vst v63  }
0x97: {  	_ =	swait.ge [sflag:s19], $0x2800  }
0x98: {  	s18 =	smov.u32 s13;
	s15 =	simm.s32 $0x28;
	[sflag:s19] =	ssyncset.done $0x0  }
.LBB2_2:
0x99: {  	[sflag:s19] =	ssyncadd.s32 $0xFFFFD800  }
0x9a: {  	_ =	swait.ge [sflag:s0], $0x2800  }
0x9b: {  	[sflag:s0] =	ssyncset.done $0x0  }
0x9c: {  	[sflag:s0] =	ssyncadd.s32 $0xFFFFD800  }
0x9d: {  	_ =	swait.ge [sflag:s1], $0x50  }
0x9e: {  	[sflag:s1] =	ssyncset.done $0x0  }
0x9f: {  	[sflag:s1] =	ssyncadd.s32 $0xFFFFFFB0  }
0xa0: {  	_ =	swait.ge [sflag:s1], $0x50  }
0xa1: {  	s9 =	rddreg [dreg:$0xa];
	[sflag:s1] =	ssyncset.done $0x0  }
0xa2: {  	s17 =	smov.u32 s15;
	s16 =	rddreg [dreg:$0x9];
	[sflag:s1] =	ssyncadd.s32 $0xFFFFFFB0  }
0xa3: {  	[tilespmem:s9], [sflag:$0x7] =	stream.indirect.gather [hbm4b:s2+s28], $0x80, s24, s28, $0xb8;
	[tilespmem:$0x1E400] =	vst v63  }
0xa4: {  	s22 =	rddreg [dreg:$0x8];
	s16 =	sadd.s32 s17, s16  }
0xa5: {  	[tilespmem:s25], [sflag:$0x4] =	stream.linear.gather [hbm4b:s16+s4], $0x50, $0x38;
	[tilespmem:$0x1E400] =	vst v63  }
0xa6: {  	s22 =	sadd.s32 s17, s22  }
0xa7: {  	[tilespmem:s7], [sflag:$0x4] =	stream.linear.gather [hbm4b:s22+s4], $0x50, $0x38;
	[tilespmem:$0x1E400] =	vst v63  }
0xa8: {  	_ = 	snop  }
0xa9: {  	[spmem:s3] =	stream.indirect.scatter.add.f32 [tilespmem:s29], [sflag:$0x9], $0x80, s21, s28, $0xb8;
	[tilespmem:$0x1E400] =	vst v63  }
0xaa: {  	_ =	swait.ge [sflag:s19], $0x2800  }
0xab: {  	[sflag:s19] =	ssyncset.done $0x0  }
0xac: {  	[sflag:s19] =	ssyncadd.s32 $0xFFFFD800  }
0xad: {  	_ =	swait.ge [sflag:s8], $0x2800  }
0xae: {  	[sflag:s8] =	ssyncset.done $0x0  }
0xaf: {  	[sflag:s8] =	ssyncadd.s32 $0xFFFFD800  }
0xb0: {  	_ =	swait.ge [sflag:s10], $0x50  }
0xb1: {  	[sflag:s10] =	ssyncset.done $0x0  }
0xb2: {  	[sflag:s10] =	ssyncadd.s32 $0xFFFFFFB0  }
0xb3: {  	_ =	swait.ge [sflag:s10], $0x50  }
0xb4: {  	s18 =	sadd.s32 $0x140, s18;
	[sflag:s10] =	ssyncset.done $0x0  }
0xb5: {  	s23 =	sshrl.u32 s18, $0x3;
	[sflag:s10] =	ssyncadd.s32 $0xFFFFFFB0  }
0xb6: {  	[tilespmem:s11], [sflag:$0x8] =	stream.indirect.gather [hbm4b:s2+s28], $0x80, s25, s28, $0xb8;
	[tilespmem:$0x1E400] =	vst v63  }
0xb7: {  	s30 =	sadd.s32 s5, s23  }
0xb8: {  	[tilespmem:s20], [sflag:$0x1] =	stream.linear.gather [hbm4b:s30+s4], $0x50, $0x38;
	[tilespmem:$0x1E400] =	vst v63  }
0xb9: {  	s9 =	sadd.s32 s6, s23  }
0xba: {  	[tilespmem:s21], [sflag:$0x1] =	stream.linear.gather [hbm4b:s9+s4], $0x50, $0x38;
	[tilespmem:$0x1E400] =	vst v63  }
0xbb: {  	_ = 	snop  }
0xbc: {  	[spmem:s3] =	stream.indirect.scatter.add.f32 [tilespmem:s31], [sflag:$0x9], $0x80, s14, s28, $0xb8;
	[tilespmem:$0x1E400] =	vst v63  }
0xbd: {  	_ =	swait.ge [sflag:s19], $0x2800  }
0xbe: {  	[sflag:s19] =	ssyncset.done $0x0  }
0xbf: {  	[sflag:s19] =	ssyncadd.s32 $0xFFFFD800  }
0xc0: {  	_ =	swait.ge [sflag:s12], $0x2800  }
0xc1: {  	[sflag:s12] =	ssyncset.done $0x0  }
0xc2: {  	[sflag:s12] =	ssyncadd.s32 $0xFFFFD800  }
0xc3: {  	_ =	swait.ge [sflag:s26], $0x50  }
0xc4: {  	[sflag:s26] =	ssyncset.done $0x0  }
0xc5: {  	[sflag:s26] =	ssyncadd.s32 $0xFFFFFFB0  }
0xc6: {  	_ =	swait.ge [sflag:s26], $0x50  }
0xc7: {  	p1 =	sne.s32 s17, $0x4B0;
	[sflag:s26] =	ssyncset.done $0x0  }
0xc8: {  	s22 =	simm.s32 @p1 $0x0;
	s9 =	rddreg [dreg:$0x5];
	[sflag:s26] =	ssyncadd.s32 $0xFFFFFFB0  }
0xc9: {  	[tilespmem:s29], [sflag:$0x5] =	stream.indirect.gather [hbm4b:s2+s28], $0x80, s20, s28, $0xb8;
	[tilespmem:$0x1E400] =	vst v63  }
0xca: {  	s30 =	simm.s32 @p1 $0x14080;
	s16 =	rddreg [dreg:$0x4];
	s9 =	sadd.s32 @p1 s17, s9  }
0xcb: {  	[tilespmem:s30], [sflag:$0x2] =	stream.linear.gather @p1 [hbm4b:s9+s22], $0x50, $0x38;
	[tilespmem:$0x1E400] =	vst v63  }
0xcc: {  	s13 =	simm.s32 @p1 $0x19400;
	s9 =	sadd.s32 @p1 s17, s16;
	s16 =	simm.s32 @p1 $0x14280  }
0xcd: {  	[tilespmem:s16], [sflag:$0x2] =	stream.linear.gather @p1 [hbm4b:s9+s22], $0x50, $0x38;
	[tilespmem:$0x1E400] =	vst v63  }
0xce: {  	s14 =	simm.s32 @p1 $0x9;
	s9 =	simm.s32 @p1 $0x50;
	s16 =	simm.s32 @p1 $0x14300  }
0xcf: {  	[spmem:s3] =	stream.indirect.scatter.add.f32 @p1 [tilespmem:s13], [sflag:$0x9], $0x80, s16, s9, $0xb8;
	[tilespmem:$0x1E400] =	vst v63  }
0xd0: {  	_ =	swait.ge @p1 [sflag:s14], $0x2800  }
0xd1: {  	[sflag:s14] =	ssyncset.done @p1 $0x0  }
0xd2: {  	s13 =	simm.s32 @p1 $0x8;
	[sflag:s14] =	ssyncadd.s32 @p1 $0xFFFFD800  }
0xd3: {  	_ =	swait.ge @p1 [sflag:s13], $0x2800  }
0xd4: {  	[sflag:s13] =	ssyncset.done @p1 $0x0  }
0xd5: {  	[sflag:s13] =	ssyncadd.s32 @p1 $0xFFFFD800;
	s13 =	simm.s32 @p1 $0x2  }
0xd6: {  	_ =	swait.ge @p1 [sflag:s13], $0x50  }
0xd7: {  	[sflag:s13] =	ssyncset.done @p1 $0x0  }
0xd8: {  	[sflag:s13] =	ssyncadd.s32 @p1 $0xFFFFFFB0  }
0xd9: {  	_ =	swait.ge @p1 [sflag:s13], $0x50  }
0xda: {  	[sflag:s13] =	ssyncset.done @p1 $0x0  }
0xdb: {  	s14 =	rddreg [dreg:$0x7];
	[sflag:s13] =	ssyncadd.s32 @p1 $0xFFFFFFB0;
	s13 =	simm.s32 @p1 $0x16C00  }
0xdc: {  	[tilespmem:s13], [sflag:$0x6] =	stream.indirect.gather @p1 [hbm4b:s2+s9], $0x80, s30, s9, $0xb8;
	[tilespmem:$0x1E400] =	vst v63  }
0xdd: {  	s23 =	rddreg [dreg:$0x6];
	s9 =	sadd.s32 @p1 s17, s14;
	s13 =	simm.s32 @p1 $0x14100  }
0xde: {  	[tilespmem:s13], [sflag:$0x3] =	stream.linear.gather @p1 [hbm4b:s9+s22], $0x50, $0x38;
	[tilespmem:$0x1E400] =	vst v63  }
0xdf: {  	s14 =	simm.s32 @!p1 $0x14300;
	s9 =	sadd.s32 @p1 s17, s23  }
0xe0: {  	[tilespmem:s16], [sflag:$0x3] =	stream.linear.gather @p1 [hbm4b:s9+s22], $0x50, $0x38;
	[tilespmem:$0x1E400] =	vst v63  }
0xe1: {  	s13 =	simm.s32 @!p1 $0x9;
	s9 =	simm.s32 @!p1 $0x50;
	s16 =	simm.s32 @!p1 $0x19400  }
0xe2: {  	[spmem:s3] =	stream.indirect.scatter.add.f32 @!p1 [tilespmem:s16], [sflag:$0x9], $0x80, s14, s9, $0xb8;
	[tilespmem:$0x1E400] =	vst v63  }
0xe3: {  	_ =	swait.ge @!p1 [sflag:s13], $0x2800  }
0xe4: {  	[sflag:s13] =	ssyncset.done @!p1 $0x0  }
0xe5: {  	s15 =	sadd.s32 $0x28, s15;
	s9 =	simm.s32 @!p1 $0x8;
	[sflag:s13] =	ssyncadd.s32 @!p1 $0xFFFFD800  }
0xe6: {  	p0 =	sne.s32 s15, $0x4D8;
	_ =	swait.ge @!p1 [sflag:s9], $0x2800  }
.Ltmp0:
0xe7: {  	[sflag:s9] =	ssyncset.done @!p1 $0x0;
	(pc) =	sbr.rel @p0 .LBB2_2-.Ltmp0, $4  }
0xe8: {  	[sflag:s9] =	ssyncadd.s32 @!p1 $0xFFFFD800  }
0xe9: {  	[spmem:s3] =	stream.indirect.scatter.add.f32 [tilespmem:s11], [sflag:$0x9], $0x80, s7, s28, $0xb8;
	[tilespmem:$0x1E400] =	vst v63  }
0xea: {  	_ =	swait.ge [sflag:s19], $0x2800  }
0xeb: {  	s14 =	simm.s32 $0x14280;
	[sflag:s19] =	ssyncset.done $0x0  }
0xec: {  	[sflag:s19] =	ssyncadd.s32 $0xFFFFD800  }
0xed: {  	_ =	swait.ge [sflag:s0], $0x2800  }
0xee: {  	[sflag:s0] =	ssyncset.done $0x0  }
0xef: {  	[sflag:s0] =	ssyncadd.s32 $0xFFFFD800  }
0xf0: {  	[spmem:s3] =	stream.indirect.scatter.add.f32 [tilespmem:s29], [sflag:$0x9], $0x80, s21, s28, $0xb8;
	[tilespmem:$0x1E400] =	vst v63  }
0xf1: {  	_ =	swait.ge [sflag:s19], $0x2800  }
0xf2: {  	[sflag:s19] =	ssyncset.done $0x0  }
0xf3: {  	[sflag:s19] =	ssyncadd.s32 $0xFFFFD800  }
0xf4: {  	[bflag:$0x0] =	sbarrier.arrive $0xFFFF  }
0xf5: {  	s13 =	rddreg [dreg:$0xd]  }
0xf6: {  	s9 =	rddreg [dreg:$0x14]  }
0xf7: {  	s15 =	rddreg [dreg:$0x18]  }
0xf8: {  	[hbm:s9], [sflag:s13] =	dma.local [spmem:s15], $0x2800  }
0xf9: {  	_ =	swait.ge [sflag:s19], $0x2800  }
0xfa: {  	s23 =	rddreg [dreg:$0x17]  }
0xfb: {  	s30 =	rddreg [dreg:$0x15];
	s15 =	sadd.s32 $0x1, s23  }
0xfc: {  	p0 =	sne.s32 s15, s30  }
.Ltmp1:
0xfd: {  	_ = 	snop;
	(pc) =	sbr.rel @p0 .LBB2_1-.Ltmp1, $3  }
0xfe: {  	_ =	sdelay $0x1  }
0xff: {  	[sflag:s19] =	ssyncset.done $0x0  }
0x100: {  	[sflag:s19] =	ssyncadd.s32 $0xFFFFD800  }
0x101: {  	_ =	sfence.sel $0x180000  }
0x102: {  	[bflag:$0x0] =	sbarrier.arrive $0xFFFF  }
0x103: {  	_ =	strace $0x9000004A  }
0x104: {  	s0 =	stileid.u32;
	[bflag:$0x2] =	sbarrier.arrive $0xFFFF  }
0x105: {  	p0 =	sne.s32 s0, $0x0;
	s0 =	rddreg [dreg:$0x3]  }
0x106: {  	s0 =	sadd.s32 @!p0 $0x100000, s0  }
0x107: {  	[sflag:s0] =	ssyncadd.tile.s32 @!p0 $0x1;
	_ =	shalt  }
.Lfunc_end2:
_tile_overlayer_lowered:
.L_overlay_start_2:
0x108: {  	(tag) =	ssettag $0x2  }
0x109: {  	s0 =	rddreg [dreg:$0x0];
	s2 =	stileid.u32  }
0x10a: {  	s1 =	rddreg [dreg:$0x1];
	p0 =	sne.s32 s2, $0x0  }
0x10b: {  	s3 =	rddreg [dreg:$0x2];
	[bflag:$0x3] =	sbarrier.arrive $0xFFFF;
	s2 =	simm.s32 @!p0 $0x1C09  }
0x10c: {  	[timem:s3], [sflag:s2] =	dma.local @!p0 [hbm:s0], s1  }
0x10d: {  	s0 =	simm.s32 @!p0 $0x9  }
0x10e: {  	_ =	swait.ge @!p0 [sflag:s0], s1  }
0x10f: {  	s1 =	ssub.s32 @!p0 $0x0, s1;
	[sflag:s0] =	ssyncset.done @!p0 $0x0  }
0x110: {  	[sflag:s0] =	ssyncadd.s32 @!p0 s1  }
0x111: {  	[bflag:$0x3] =	sbarrier.arrive $0xFFFF  }
0x112: {  	_ =	shalt  }

</sc_bundles>
